<compile_context>
chip_gen: v7x
topology: tpu7x:2x2x1
jax: 0.10.2.dev20260603
libtpu: 0.0.44.dev20260713+nightly
codegen_flags: <defaults>
</compile_context>

<pallas_src>
import jax
import jax.numpy as jnp
from jax import lax
from jax.experimental import pallas as pl
from jax.experimental.pallas import tpu as pltpu
from jax.experimental.pallas import tpu_sc as plsc

N_FACTORS = 50
BATCH = 16384
NC, NS, L = 2, 16, 16
NW = NC * NS
BPW = BATCH // NW
NG = BPW // L
C = 256
NGH = C // L


def _body(iu_hbm, im_hbm, u_hbm, m_hbm, o_hbm,
          iu_v, im_v, u_rows, m_rows, out_v, sem):
    wid = lax.axis_index("s") * NC + lax.axis_index("c")
    base = wid * BPW

    pltpu.sync_copy(iu_hbm.at[pl.ds(base, BPW)], iu_v)
    pltpu.sync_copy(im_hbm.at[pl.ds(base, BPW)], im_v)

    lanes = lax.iota(jnp.int32, L)

    def half(h, _):
        hb = h * C

        def issue(g, _):
            vu = iu_v[pl.ds(hb + g * L, L)]
            vm = im_v[pl.ds(hb + g * L, L)]
            for j in range(L):
                i = g * L + j
                pltpu.async_copy(u_hbm.at[pl.ds(vu[j], 1), :],
                                 u_rows.at[pl.ds(i, 1), :], sem)
                pltpu.async_copy(m_hbm.at[pl.ds(vm[j], 1), :],
                                 m_rows.at[pl.ds(i, 1), :], sem)
            return 0

        lax.fori_loop(0, NGH, issue, 0)

        pltpu.make_async_copy(u_hbm.at[pl.ds(0, C), :], u_rows, sem).wait()
        pltpu.make_async_copy(m_hbm.at[pl.ds(0, C), :], m_rows, sem).wait()

        def dot(g, _):
            rows = g * L + lanes
            acc = (plsc.load_gather(u_rows, [rows, jnp.zeros((L,), jnp.int32)])
                   * plsc.load_gather(m_rows, [rows, jnp.zeros((L,), jnp.int32)]))
            for f in range(1, N_FACTORS):
                cols = jnp.full((L,), f, jnp.int32)
                acc = acc + (plsc.load_gather(u_rows, [rows, cols])
                             * plsc.load_gather(m_rows, [rows, cols]))
            out_v[pl.ds(hb + g * L, L)] = acc
            return 0

        lax.fori_loop(0, NGH, dot, 0)
        return 0

    lax.fori_loop(0, BPW // C, half, 0)

    pltpu.sync_copy(out_v, o_hbm.at[pl.ds(base, BPW)])


@jax.jit
def _embedding_dot(cats, u_weight, m_weight):
    users = cats[:, 0]
    movies = cats[:, 1]
    mesh = plsc.VectorSubcoreMesh(core_axis_name="c", subcore_axis_name="s")
    run = pl.kernel(
        _body, mesh=mesh,
        compiler_params=pltpu.CompilerParams(needs_layout_passes=False),
        out_type=jax.ShapeDtypeStruct((BATCH,), jnp.float32),
        scratch_types=[
            pltpu.VMEM((BPW,), jnp.int32),
            pltpu.VMEM((BPW,), jnp.int32),
            pltpu.VMEM((C, N_FACTORS), jnp.float32),
            pltpu.VMEM((C, N_FACTORS), jnp.float32),
            pltpu.VMEM((BPW,), jnp.float32),
            pltpu.SemaphoreType.DMA,
        ],
    )
    return run(users, movies, u_weight, m_weight)


def kernel(cats, conts, u_weight, m_weight):
    del conts
    return _embedding_dot(cats.astype(jnp.int32), u_weight, m_weight)

# --- scband reference (transcript-rebuilt; emitter-appended) ---
"""Pipeline reference for scband-embedding-dot-89601607729422 (READ-ONLY COPY).

The authoritative reference and input builder live on the scoring server;
editing this copy changes nothing except your own understanding.
"""

import jax, jax.numpy as jnp
import numpy as np

N_USERS = 1000000
N_MOVIES = 1000000
N_FACTORS = 50
BATCH = 16384


def setup_inputs(seed: int = 0) -> dict:
    key = jax.random.key(seed)
    k1, k2, k3, k4 = jax.random.split(key, 4)
    cats = jax.random.randint(k1, (BATCH, 2), 0, N_USERS, dtype=jnp.int64 if jax.config.jax_enable_x64 else jnp.int32)
    conts = jax.random.normal(k2, (BATCH, 1), dtype=jnp.float32)
    u_weight = jax.random.uniform(k3, (N_USERS, N_FACTORS), dtype=jnp.float32, minval=0.0, maxval=0.05)
    m_weight = jax.random.uniform(k4, (N_MOVIES, N_FACTORS), dtype=jnp.float32, minval=0.0, maxval=0.05)
    return {"cats": cats, "conts": conts, "u_weight": u_weight, "m_weight": m_weight}


def reference(cats, conts, u_weight, m_weight):
    users = cats[:, 0]
    movies = cats[:, 1]
    u = jnp.take(u_weight, users, axis=0)
    m = jnp.take(m_weight, movies, axis=0)
    return (u * m).sum(1)

if __name__ == "__main__":
    import jax
    _d = setup_inputs()
    print(jax.jit(kernel)(*tuple(_d.values())))

</pallas_src>

<mosaic_0001>
#map = affine_map<(d0, d1) -> (0)>
#map1 = affine_map<(d0, d1) -> (0, 0)>
module attributes {stable_mosaic.version = 14 : i64} {
  func.func @_body(%arg0: i32, %arg1: i32, %arg2: memref<16384xi32, #tpu.memory_space<hbm>>, %arg3: memref<16384xi32, #tpu.memory_space<hbm>>, %arg4: memref<1000000x50xf32, #tpu.memory_space<hbm>>, %arg5: memref<1000000x50xf32, #tpu.memory_space<hbm>>, %arg6: memref<16384xf32, #tpu.memory_space<hbm>>, %arg7: memref<512xi32, #tpu.memory_space<vmem>>, %arg8: memref<512xi32, #tpu.memory_space<vmem>>, %arg9: memref<256x50xf32, #tpu.memory_space<vmem>>, %arg10: memref<256x50xf32, #tpu.memory_space<vmem>>, %arg11: memref<512xf32, #tpu.memory_space<vmem>>, %arg12: memref<!tpu.dma_semaphore, #tpu.memory_space<semaphore_mem>>) attributes {dimension_semantics = [#tpu.dimension_semantics<core_parallel>, #tpu.dimension_semantics<subcore_parallel>], iteration_bounds = array<i64: 2, 16>, scalar_prefetch = 0 : i64, scratch_operands = 6 : i64, tpu.core_type = #tpu.core_type<sc_vector_subcore>, window_params = [{transform_indices = #map}, {transform_indices = #map}, {transform_indices = #map1}, {transform_indices = #map1}, {transform_indices = #map}]} {
    %mul3A = arith.constant 2 : i32
    %mul3A_0 = arith.muli %arg1, %mul3A : i32
    %add3A = arith.addi %mul3A_0, %arg0 : i32
    %mul3A_1 = arith.constant 512 : i32
    %mul3A_2 = arith.muli %add3A, %mul3A_1 : i32
    "tpu.region"() ({
      %run_scoped3A = tpu.sem_alloc : memref<!tpu.dma_semaphore, #tpu.memory_space<semaphore_mem>>
      %dma_start3A = tpu.memref_slice %arg2[%mul3A_2] : memref<16384xi32, #tpu.memory_space<hbm>> -> memref<512xi32, #tpu.memory_space<hbm>>
      %dma_start3A_9 = tpu.memref_slice %arg2[%mul3A_2] : memref<16384xi32, #tpu.memory_space<hbm>> -> memref<512xi32, #tpu.memory_space<hbm>>
      tpu.enqueue_dma source(%dma_start3A_9 : memref<512xi32, #tpu.memory_space<hbm>>) target(%arg7 : memref<512xi32, #tpu.memory_space<vmem>>) target_semaphore(%run_scoped3A : memref<!tpu.dma_semaphore, #tpu.memory_space<semaphore_mem>>)
      %dma_wait3A = tpu.memref_slice %arg2[%mul3A_2] : memref<16384xi32, #tpu.memory_space<hbm>> -> memref<512xi32, #tpu.memory_space<hbm>>
      %dma_wait3A_10 = tpu.memref_slice %arg2[%mul3A_2] : memref<16384xi32, #tpu.memory_space<hbm>> -> memref<512xi32, #tpu.memory_space<hbm>>
      tpu.wait_dma2 semaphore(%run_scoped3A : memref<!tpu.dma_semaphore, #tpu.memory_space<semaphore_mem>>) src(%dma_wait3A_10 : memref<512xi32, #tpu.memory_space<hbm>>) dst(%arg7 : memref<512xi32, #tpu.memory_space<vmem>>)
      tpu.yield
    }) : () -> ()
    "tpu.region"() ({
      %run_scoped3A = tpu.sem_alloc : memref<!tpu.dma_semaphore, #tpu.memory_space<semaphore_mem>>
      %dma_start3A = tpu.memref_slice %arg3[%mul3A_2] : memref<16384xi32, #tpu.memory_space<hbm>> -> memref<512xi32, #tpu.memory_space<hbm>>
      %dma_start3A_9 = tpu.memref_slice %arg3[%mul3A_2] : memref<16384xi32, #tpu.memory_space<hbm>> -> memref<512xi32, #tpu.memory_space<hbm>>
      tpu.enqueue_dma source(%dma_start3A_9 : memref<512xi32, #tpu.memory_space<hbm>>) target(%arg8 : memref<512xi32, #tpu.memory_space<vmem>>) target_semaphore(%run_scoped3A : memref<!tpu.dma_semaphore, #tpu.memory_space<semaphore_mem>>)
      %dma_wait3A = tpu.memref_slice %arg3[%mul3A_2] : memref<16384xi32, #tpu.memory_space<hbm>> -> memref<512xi32, #tpu.memory_space<hbm>>
      %dma_wait3A_10 = tpu.memref_slice %arg3[%mul3A_2] : memref<16384xi32, #tpu.memory_space<hbm>> -> memref<512xi32, #tpu.memory_space<hbm>>
      tpu.wait_dma2 semaphore(%run_scoped3A : memref<!tpu.dma_semaphore, #tpu.memory_space<semaphore_mem>>) src(%dma_wait3A_10 : memref<512xi32, #tpu.memory_space<hbm>>) dst(%arg8 : memref<512xi32, #tpu.memory_space<vmem>>)
      tpu.yield
    }) : () -> ()
    %iota3A = tpu.iota {dimensions = array<i32: 0>} : vector<16xi32>
    %scan3A = arith.constant 0 : i32
    %scan3A_3 = arith.constant 0 : i32
    %scan3A_4 = arith.constant 2 : i32
    %scan3A_5 = arith.addi %scan3A_3, %scan3A_4 : i32
    %scan3A_6 = arith.constant 1 : i32
    %scan3A_7 = scf.for %scan3A_9 = %scan3A_3 to %scan3A_5 step %scan3A_6 iter_args(%scan3A_10 = %scan3A) -> (i32)  : i32 {
      %mul3A_11 = arith.constant 256 : i32
      %mul3A_12 = arith.muli %scan3A_9, %mul3A_11 : i32
      %scan3A_13 = arith.constant 0 : i32
      %scan3A_14 = arith.constant 0 : i32
      %scan3A_15 = arith.constant 16 : i32
      %scan3A_16 = arith.addi %scan3A_14, %scan3A_15 : i32
      %scan3A_17 = arith.constant 1 : i32
      %scan3A_18 = scf.for %scan3A_39 = %scan3A_14 to %scan3A_16 step %scan3A_17 iter_args(%scan3A_40 = %scan3A_13) -> (i32)  : i32 {
        %mul3A_41 = arith.constant 16 : i32
        %mul3A_42 = arith.muli %scan3A_39, %mul3A_41 : i32
        %add3A_43 = arith.addi %mul3A_12, %mul3A_42 : i32
        %get3A = arith.index_cast %add3A_43 : i32 to index
        %get3A_44 = tpu.vector_load %arg7[%get3A] {strides = array<i32>} : memref<512xi32, #tpu.memory_space<vmem>>, vector<16xi32>,
        %mul3A_45 = arith.constant 16 : i32
        %mul3A_46 = arith.muli %scan3A_39, %mul3A_45 : i32
        %add3A_47 = arith.addi %mul3A_12, %mul3A_46 : i32
        %get3A_48 = arith.index_cast %add3A_47 : i32 to index
        %get3A_49 = tpu.vector_load %arg8[%get3A_48] {strides = array<i32>} : memref<512xi32, #tpu.memory_space<vmem>>, vector<16xi32>,
        %mul3A_50 = arith.constant 16 : i32
        %mul3A_51 = arith.muli %scan3A_39, %mul3A_50 : i32
        %add3A_52 = arith.constant 0 : i32
        %add3A_53 = arith.addi %mul3A_51, %add3A_52 : i32
        %slice3A = vector.extract_strided_slice %get3A_44 {offsets = [0], sizes = [1], strides = [1]} : vector<16xi32> to vector<1xi32>
        %squeeze3A = vector.extract %slice3A[0] : i32 from vector<1xi32>
        %dma_start3A = arith.constant 0 : i32
        %dma_start3A_54 = tpu.memref_slice %arg9[%add3A_53, %dma_start3A] : memref<256x50xf32, #tpu.memory_space<vmem>> -> memref<1x50xf32, #tpu.memory_space<vmem>>
        %dma_start3A_55 = arith.constant 0 : i32
        %dma_start3A_56 = tpu.memref_slice %arg4[%squeeze3A, %dma_start3A_55] : memref<1000000x50xf32, #tpu.memory_space<hbm>> -> memref<1x50xf32, #tpu.memory_space<hbm>>
        %dma_start3A_57 = arith.constant 0 : i32
        %dma_start3A_58 = tpu.memref_slice %arg9[%add3A_53, %dma_start3A_57] : memref<256x50xf32, #tpu.memory_space<vmem>> -> memref<1x50xf32, #tpu.memory_space<vmem>>
        %dma_start3A_59 = arith.constant 0 : i32
        %dma_start3A_60 = tpu.memref_slice %arg4[%squeeze3A, %dma_start3A_59] : memref<1000000x50xf32, #tpu.memory_space<hbm>> -> memref<1x50xf32, #tpu.memory_space<hbm>>
        tpu.enqueue_dma source(%dma_start3A_60 : memref<1x50xf32, #tpu.memory_space<hbm>>) target(%dma_start3A_58 : memref<1x50xf32, #tpu.memory_space<vmem>>) target_semaphore(%arg12 : memref<!tpu.dma_semaphore, #tpu.memory_space<semaphore_mem>>)
        %slice3A_61 = vector.extract_strided_slice %get3A_49 {offsets = [0], sizes = [1], strides = [1]} : vector<16xi32> to vector<1xi32>
        %squeeze3A_62 = vector.extract %slice3A_61[0] : i32 from vector<1xi32>
        %dma_start3A_63 = arith.constant 0 : i32
        %dma_start3A_64 = tpu.memref_slice %arg10[%add3A_53, %dma_start3A_63] : memref<256x50xf32, #tpu.memory_space<vmem>> -> memref<1x50xf32, #tpu.memory_space<vmem>>
        %dma_start3A_65 = arith.constant 0 : i32
        %dma_start3A_66 = tpu.memref_slice %arg5[%squeeze3A_62, %dma_start3A_65] : memref<1000000x50xf32, #tpu.memory_space<hbm>> -> memref<1x50xf32, #tpu.memory_space<hbm>>
        %dma_start3A_67 = arith.constant 0 : i32
        %dma_start3A_68 = tpu.memref_slice %arg10[%add3A_53, %dma_start3A_67] : memref<256x50xf32, #tpu.memory_space<vmem>> -> memref<1x50xf32, #tpu.memory_space<vmem>>
        %dma_start3A_69 = arith.constant 0 : i32
        %dma_start3A_70 = tpu.memref_slice %arg5[%squeeze3A_62, %dma_start3A_69] : memref<1000000x50xf32, #tpu.memory_space<hbm>> -> memref<1x50xf32, #tpu.memory_space<hbm>>
        tpu.enqueue_dma source(%dma_start3A_70 : memref<1x50xf32, #tpu.memory_space<hbm>>) target(%dma_start3A_68 : memref<1x50xf32, #tpu.memory_space<vmem>>) target_semaphore(%arg12 : memref<!tpu.dma_semaphore, #tpu.memory_space<semaphore_mem>>)
        %mul3A_71 = arith.constant 16 : i32
        %mul3A_72 = arith.muli %scan3A_39, %mul3A_71 : i32
        %add3A_73 = arith.constant 1 : i32
        %add3A_74 = arith.addi %mul3A_72, %add3A_73 : i32
        %slice3A_75 = vector.extract_strided_slice %get3A_44 {offsets = [1], sizes = [1], strides = [1]} : vector<16xi32> to vector<1xi32>
        %squeeze3A_76 = vector.extract %slice3A_75[0] : i32 from vector<1xi32>
        %dma_start3A_77 = arith.constant 0 : i32
        %dma_start3A_78 = tpu.memref_slice %arg9[%add3A_74, %dma_start3A_77] : memref<256x50xf32, #tpu.memory_space<vmem>> -> memref<1x50xf32, #tpu.memory_space<vmem>>
        %dma_start3A_79 = arith.constant 0 : i32
        %dma_start3A_80 = tpu.memref_slice %arg4[%squeeze3A_76, %dma_start3A_79] : memref<1000000x50xf32, #tpu.memory_space<hbm>> -> memref<1x50xf32, #tpu.memory_space<hbm>>
        %dma_start3A_81 = arith.constant 0 : i32
        %dma_start3A_82 = tpu.memref_slice %arg9[%add3A_74, %dma_start3A_81] : memref<256x50xf32, #tpu.memory_space<vmem>> -> memref<1x50xf32, #tpu.memory_space<vmem>>
        %dma_start3A_83 = arith.constant 0 : i32
        %dma_start3A_84 = tpu.memref_slice %arg4[%squeeze3A_76, %dma_start3A_83] : memref<1000000x50xf32, #tpu.memory_space<hbm>> -> memref<1x50xf32, #tpu.memory_space<hbm>>
        tpu.enqueue_dma source(%dma_start3A_84 : memref<1x50xf32, #tpu.memory_space<hbm>>) target(%dma_start3A_82 : memref<1x50xf32, #tpu.memory_space<vmem>>) target_semaphore(%arg12 : memref<!tpu.dma_semaphore, #tpu.memory_space<semaphore_mem>>)
        %slice3A_85 = vector.extract_strided_slice %get3A_49 {offsets = [1], sizes = [1], strides = [1]} : vector<16xi32> to vector<1xi32>
        %squeeze3A_86 = vector.extract %slice3A_85[0] : i32 from vector<1xi32>
        %dma_start3A_87 = arith.constant 0 : i32
        %dma_start3A_88 = tpu.memref_slice %arg10[%add3A_74, %dma_start3A_87] : memref<256x50xf32, #tpu.memory_space<vmem>> -> memref<1x50xf32, #tpu.memory_space<vmem>>
        %dma_start3A_89 = arith.constant 0 : i32
        %dma_start3A_90 = tpu.memref_slice %arg5[%squeeze3A_86, %dma_start3A_89] : memref<1000000x50xf32, #tpu.memory_space<hbm>> -> memref<1x50xf32, #tpu.memory_space<hbm>>
        %dma_start3A_91 = arith.constant 0 : i32
        %dma_start3A_92 = tpu.memref_slice %arg10[%add3A_74, %dma_start3A_91] : memref<256x50xf32, #tpu.memory_space<vmem>> -> memref<1x50xf32, #tpu.memory_space<vmem>>
        %dma_start3A_93 = arith.constant 0 : i32
        %dma_start3A_94 = tpu.memref_slice %arg5[%squeeze3A_86, %dma_start3A_93] : memref<1000000x50xf32, #tpu.memory_space<hbm>> -> memref<1x50xf32, #tpu.memory_space<hbm>>
        tpu.enqueue_dma source(%dma_start3A_94 : memref<1x50xf32, #tpu.memory_space<hbm>>) target(%dma_start3A_92 : memref<1x50xf32, #tpu.memory_space<vmem>>) target_semaphore(%arg12 : memref<!tpu.dma_semaphore, #tpu.memory_space<semaphore_mem>>)
        %mul3A_95 = arith.constant 16 : i32
        %mul3A_96 = arith.muli %scan3A_39, %mul3A_95 : i32
        %add3A_97 = arith.constant 2 : i32
        %add3A_98 = arith.addi %mul3A_96, %add3A_97 : i32
        %slice3A_99 = vector.extract_strided_slice %get3A_44 {offsets = [2], sizes = [1], strides = [1]} : vector<16xi32> to vector<1xi32>
        %squeeze3A_100 = vector.extract %slice3A_99[0] : i32 from vector<1xi32>
        %dma_start3A_101 = arith.constant 0 : i32
        %dma_start3A_102 = tpu.memref_slice %arg9[%add3A_98, %dma_start3A_101] : memref<256x50xf32, #tpu.memory_space<vmem>> -> memref<1x50xf32, #tpu.memory_space<vmem>>
        %dma_start3A_103 = arith.constant 0 : i32
        %dma_start3A_104 = tpu.memref_slice %arg4[%squeeze3A_100, %dma_start3A_103] : memref<1000000x50xf32, #tpu.memory_space<hbm>> -> memref<1x50xf32, #tpu.memory_space<hbm>>
        %dma_start3A_105 = arith.constant 0 : i32
        %dma_start3A_106 = tpu.memref_slice %arg9[%add3A_98, %dma_start3A_105] : memref<256x50xf32, #tpu.memory_space<vmem>> -> memref<1x50xf32, #tpu.memory_space<vmem>>
        %dma_start3A_107 = arith.constant 0 : i32
        %dma_start3A_108 = tpu.memref_slice %arg4[%squeeze3A_100, %dma_start3A_107] : memref<1000000x50xf32, #tpu.memory_space<hbm>> -> memref<1x50xf32, #tpu.memory_space<hbm>>
        tpu.enqueue_dma source(%dma_start3A_108 : memref<1x50xf32, #tpu.memory_space<hbm>>) target(%dma_start3A_106 : memref<1x50xf32, #tpu.memory_space<vmem>>) target_semaphore(%arg12 : memref<!tpu.dma_semaphore, #tpu.memory_space<semaphore_mem>>)
        %slice3A_109 = vector.extract_strided_slice %get3A_49 {offsets = [2], sizes = [1], strides = [1]} : vector<16xi32> to vector<1xi32>
        %squeeze3A_110 = vector.extract %slice3A_109[0] : i32 from vector<1xi32>
        %dma_start3A_111 = arith.constant 0 : i32
        %dma_start3A_112 = tpu.memref_slice %arg10[%add3A_98, %dma_start3A_111] : memref<256x50xf32, #tpu.memory_space<vmem>> -> memref<1x50xf32, #tpu.memory_space<vmem>>
        %dma_start3A_113 = arith.constant 0 : i32
        %dma_start3A_114 = tpu.memref_slice %arg5[%squeeze3A_110, %dma_start3A_113] : memref<1000000x50xf32, #tpu.memory_space<hbm>> -> memref<1x50xf32, #tpu.memory_space<hbm>>
        %dma_start3A_115 = arith.constant 0 : i32
        %dma_start3A_116 = tpu.memref_slice %arg10[%add3A_98, %dma_start3A_115] : memref<256x50xf32, #tpu.memory_space<vmem>> -> memref<1x50xf32, #tpu.memory_space<vmem>>
        %dma_start3A_117 = arith.constant 0 : i32
        %dma_start3A_118 = tpu.memref_slice %arg5[%squeeze3A_110, %dma_start3A_117] : memref<1000000x50xf32, #tpu.memory_space<hbm>> -> memref<1x50xf32, #tpu.memory_space<hbm>>
        tpu.enqueue_dma source(%dma_start3A_118 : memref<1x50xf32, #tpu.memory_space<hbm>>) target(%dma_start3A_116 : memref<1x50xf32, #tpu.memory_space<vmem>>) target_semaphore(%arg12 : memref<!tpu.dma_semaphore, #tpu.memory_space<semaphore_mem>>)
        %mul3A_119 = arith.constant 16 : i32
        %mul3A_120 = arith.muli %scan3A_39, %mul3A_119 : i32
        %add3A_121 = arith.constant 3 : i32
        %add3A_122 = arith.addi %mul3A_120, %add3A_121 : i32
        %slice3A_123 = vector.extract_strided_slice %get3A_44 {offsets = [3], sizes = [1], strides = [1]} : vector<16xi32> to vector<1xi32>
        %squeeze3A_124 = vector.extract %slice3A_123[0] : i32 from vector<1xi32>
        %dma_start3A_125 = arith.constant 0 : i32
        %dma_start3A_126 = tpu.memref_slice %arg9[%add3A_122, %dma_start3A_125] : memref<256x50xf32, #tpu.memory_space<vmem>> -> memref<1x50xf32, #tpu.memory_space<vmem>>
        %dma_start3A_127 = arith.constant 0 : i32
        %dma_start3A_128 = tpu.memref_slice %arg4[%squeeze3A_124, %dma_start3A_127] : memref<1000000x50xf32, #tpu.memory_space<hbm>> -> memref<1x50xf32, #tpu.memory_space<hbm>>
        %dma_start3A_129 = arith.constant 0 : i32
        %dma_start3A_130 = tpu.memref_slice %arg9[%add3A_122, %dma_start3A_129] : memref<256x50xf32, #tpu.memory_space<vmem>> -> memref<1x50xf32, #tpu.memory_space<vmem>>
        %dma_start3A_131 = arith.constant 0 : i32
        %dma_start3A_132 = tpu.memref_slice %arg4[%squeeze3A_124, %dma_start3A_131] : memref<1000000x50xf32, #tpu.memory_space<hbm>> -> memref<1x50xf32, #tpu.memory_space<hbm>>
        tpu.enqueue_dma source(%dma_start3A_132 : memref<1x50xf32, #tpu.memory_space<hbm>>) target(%dma_start3A_130 : memref<1x50xf32, #tpu.memory_space<vmem>>) target_semaphore(%arg12 : memref<!tpu.dma_semaphore, #tpu.memory_space<semaphore_mem>>)
        %slice3A_133 = vector.extract_strided_slice %get3A_49 {offsets = [3], sizes = [1], strides = [1]} : vector<16xi32> to vector<1xi32>
        %squeeze3A_134 = vector.extract %slice3A_133[0] : i32 from vector<1xi32>
        %dma_start3A_135 = arith.constant 0 : i32
        %dma_start3A_136 = tpu.memref_slice %arg10[%add3A_122, %dma_start3A_135] : memref<256x50xf32, #tpu.memory_space<vmem>> -> memref<1x50xf32, #tpu.memory_space<vmem>>
        %dma_start3A_137 = arith.constant 0 : i32
        %dma_start3A_138 = tpu.memref_slice %arg5[%squeeze3A_134, %dma_start3A_137] : memref<1000000x50xf32, #tpu.memory_space<hbm>> -> memref<1x50xf32, #tpu.memory_space<hbm>>
        %dma_start3A_139 = arith.constant 0 : i32
        %dma_start3A_140 = tpu.memref_slice %arg10[%add3A_122, %dma_start3A_139] : memref<256x50xf32, #tpu.memory_space<vmem>> -> memref<1x50xf32, #tpu.memory_space<vmem>>
        %dma_start3A_141 = arith.constant 0 : i32
        %dma_start3A_142 = tpu.memref_slice %arg5[%squeeze3A_134, %dma_start3A_141] : memref<1000000x50xf32, #tpu.memory_space<hbm>> -> memref<1x50xf32, #tpu.memory_space<hbm>>
        tpu.enqueue_dma source(%dma_start3A_142 : memref<1x50xf32, #tpu.memory_space<hbm>>) target(%dma_start3A_140 : memref<1x50xf32, #tpu.memory_space<vmem>>) target_semaphore(%arg12 : memref<!tpu.dma_semaphore, #tpu.memory_space<semaphore_mem>>)
        %mul3A_143 = arith.constant 16 : i32
        %mul3A_144 = arith.muli %scan3A_39, %mul3A_143 : i32
        %add3A_145 = arith.constant 4 : i32
        %add3A_146 = arith.addi %mul3A_144, %add3A_145 : i32
        %slice3A_147 = vector.extract_strided_slice %get3A_44 {offsets = [4], sizes = [1], strides = [1]} : vector<16xi32> to vector<1xi32>
        %squeeze3A_148 = vector.extract %slice3A_147[0] : i32 from vector<1xi32>
        %dma_start3A_149 = arith.constant 0 : i32
        %dma_start3A_150 = tpu.memref_slice %arg9[%add3A_146, %dma_start3A_149] : memref<256x50xf32, #tpu.memory_space<vmem>> -> memref<1x50xf32, #tpu.memory_space<vmem>>
        %dma_start3A_151 = arith.constant 0 : i32
        %dma_start3A_152 = tpu.memref_slice %arg4[%squeeze3A_148, %dma_start3A_151] : memref<1000000x50xf32, #tpu.memory_space<hbm>> -> memref<1x50xf32, #tpu.memory_space<hbm>>
        %dma_start3A_153 = arith.constant 0 : i32
        %dma_start3A_154 = tpu.memref_slice %arg9[%add3A_146, %dma_start3A_153] : memref<256x50xf32, #tpu.memory_space<vmem>> -> memref<1x50xf32, #tpu.memory_space<vmem>>
        %dma_start3A_155 = arith.constant 0 : i32
        %dma_start3A_156 = tpu.memref_slice %arg4[%squeeze3A_148, %dma_start3A_155] : memref<1000000x50xf32, #tpu.memory_space<hbm>> -> memref<1x50xf32, #tpu.memory_space<hbm>>
        tpu.enqueue_dma source(%dma_start3A_156 : memref<1x50xf32, #tpu.memory_space<hbm>>) target(%dma_start3A_154 : memref<1x50xf32, #tpu.memory_space<vmem>>) target_semaphore(%arg12 : memref<!tpu.dma_semaphore, #tpu.memory_space<semaphore_mem>>)
        %slice3A_157 = vector.extract_strided_slice %get3A_49 {offsets = [4], sizes = [1], strides = [1]} : vector<16xi32> to vector<1xi32>
        %squeeze3A_158 = vector.extract %slice3A_157[0] : i32 from vector<1xi32>
        %dma_start3A_159 = arith.constant 0 : i32
        %dma_start3A_160 = tpu.memref_slice %arg10[%add3A_146, %dma_start3A_159] : memref<256x50xf32, #tpu.memory_space<vmem>> -> memref<1x50xf32, #tpu.memory_space<vmem>>
        %dma_start3A_161 = arith.constant 0 : i32
        %dma_start3A_162 = tpu.memref_slice %arg5[%squeeze3A_158, %dma_start3A_161] : memref<1000000x50xf32, #tpu.memory_space<hbm>> -> memref<1x50xf32, #tpu.memory_space<hbm>>
        %dma_start3A_163 = arith.constant 0 : i32
        %dma_start3A_164 = tpu.memref_slice %arg10[%add3A_146, %dma_start3A_163] : memref<256x50xf32, #tpu.memory_space<vmem>> -> memref<1x50xf32, #tpu.memory_space<vmem>>
        %dma_start3A_165 = arith.constant 0 : i32
        %dma_start3A_166 = tpu.memref_slice %arg5[%squeeze3A_158, %dma_start3A_165] : memref<1000000x50xf32, #tpu.memory_space<hbm>> -> memref<1x50xf32, #tpu.memory_space<hbm>>
        tpu.enqueue_dma source(%dma_start3A_166 : memref<1x50xf32, #tpu.memory_space<hbm>>) target(%dma_start3A_164 : memref<1x50xf32, #tpu.memory_space<vmem>>) target_semaphore(%arg12 : memref<!tpu.dma_semaphore, #tpu.memory_space<semaphore_mem>>)
        %mul3A_167 = arith.constant 16 : i32
        %mul3A_168 = arith.muli %scan3A_39, %mul3A_167 : i32
        %add3A_169 = arith.constant 5 : i32
        %add3A_170 = arith.addi %mul3A_168, %add3A_169 : i32
        %slice3A_171 = vector.extract_strided_slice %get3A_44 {offsets = [5], sizes = [1], strides = [1]} : vector<16xi32> to vector<1xi32>
        %squeeze3A_172 = vector.extract %slice3A_171[0] : i32 from vector<1xi32>
        %dma_start3A_173 = arith.constant 0 : i32
        %dma_start3A_174 = tpu.memref_slice %arg9[%add3A_170, %dma_start3A_173] : memref<256x50xf32, #tpu.memory_space<vmem>> -> memref<1x50xf32, #tpu.memory_space<vmem>>
        %dma_start3A_175 = arith.constant 0 : i32
        %dma_start3A_176 = tpu.memref_slice %arg4[%squeeze3A_172, %dma_start3A_175] : memref<1000000x50xf32, #tpu.memory_space<hbm>> -> memref<1x50xf32, #tpu.memory_space<hbm>>
        %dma_start3A_177 = arith.constant 0 : i32
        %dma_start3A_178 = tpu.memref_slice %arg9[%add3A_170, %dma_start3A_177] : memref<256x50xf32, #tpu.memory_space<vmem>> -> memref<1x50xf32, #tpu.memory_space<vmem>>
        %dma_start3A_179 = arith.constant 0 : i32
        %dma_start3A_180 = tpu.memref_slice %arg4[%squeeze3A_172, %dma_start3A_179] : memref<1000000x50xf32, #tpu.memory_space<hbm>> -> memref<1x50xf32, #tpu.memory_space<hbm>>
        tpu.enqueue_dma source(%dma_start3A_180 : memref<1x50xf32, #tpu.memory_space<hbm>>) target(%dma_start3A_178 : memref<1x50xf32, #tpu.memory_space<vmem>>) target_semaphore(%arg12 : memref<!tpu.dma_semaphore, #tpu.memory_space<semaphore_mem>>)
        %slice3A_181 = vector.extract_strided_slice %get3A_49 {offsets = [5], sizes = [1], strides = [1]} : vector<16xi32> to vector<1xi32>
        %squeeze3A_182 = vector.extract %slice3A_181[0] : i32 from vector<1xi32>
        %dma_start3A_183 = arith.constant 0 : i32
        %dma_start3A_184 = tpu.memref_slice %arg10[%add3A_170, %dma_start3A_183] : memref<256x50xf32, #tpu.memory_space<vmem>> -> memref<1x50xf32, #tpu.memory_space<vmem>>
        %dma_start3A_185 = arith.constant 0 : i32
        %dma_start3A_186 = tpu.memref_slice %arg5[%squeeze3A_182, %dma_start3A_185] : memref<1000000x50xf32, #tpu.memory_space<hbm>> -> memref<1x50xf32, #tpu.memory_space<hbm>>
        %dma_start3A_187 = arith.constant 0 : i32
        %dma_start3A_188 = tpu.memref_slice %arg10[%add3A_170, %dma_start3A_187] : memref<256x50xf32, #tpu.memory_space<vmem>> -> memref<1x50xf32, #tpu.memory_space<vmem>>
        %dma_start3A_189 = arith.constant 0 : i32
        %dma_start3A_190 = tpu.memref_slice %arg5[%squeeze3A_182, %dma_start3A_189] : memref<1000000x50xf32, #tpu.memory_space<hbm>> -> memref<1x50xf32, #tpu.memory_space<hbm>>
        tpu.enqueue_dma source(%dma_start3A_190 : memref<1x50xf32, #tpu.memory_space<hbm>>) target(%dma_start3A_188 : memref<1x50xf32, #tpu.memory_space<vmem>>) target_semaphore(%arg12 : memref<!tpu.dma_semaphore, #tpu.memory_space<semaphore_mem>>)
        %mul3A_191 = arith.constant 16 : i32
        %mul3A_192 = arith.muli %scan3A_39, %mul3A_191 : i32
        %add3A_193 = arith.constant 6 : i32
        %add3A_194 = arith.addi %mul3A_192, %add3A_193 : i32
        %slice3A_195 = vector.extract_strided_slice %get3A_44 {offsets = [6], sizes = [1], strides = [1]} : vector<16xi32> to vector<1xi32>
        %squeeze3A_196 = vector.extract %slice3A_195[0] : i32 from vector<1xi32>
        %dma_start3A_197 = arith.constant 0 : i32
        %dma_start3A_198 = tpu.memref_slice %arg9[%add3A_194, %dma_start3A_197] : memref<256x50xf32, #tpu.memory_space<vmem>> -> memref<1x50xf32, #tpu.memory_space<vmem>>
        %dma_start3A_199 = arith.constant 0 : i32
        %dma_start3A_200 = tpu.memref_slice %arg4[%squeeze3A_196, %dma_start3A_199] : memref<1000000x50xf32, #tpu.memory_space<hbm>> -> memref<1x50xf32, #tpu.memory_space<hbm>>
        %dma_start3A_201 = arith.constant 0 : i32
        %dma_start3A_202 = tpu.memref_slice %arg9[%add3A_194, %dma_start3A_201] : memref<256x50xf32, #tpu.memory_space<vmem>> -> memref<1x50xf32, #tpu.memory_space<vmem>>
        %dma_start3A_203 = arith.constant 0 : i32
        %dma_start3A_204 = tpu.memref_slice %arg4[%squeeze3A_196, %dma_start3A_203] : memref<1000000x50xf32, #tpu.memory_space<hbm>> -> memref<1x50xf32, #tpu.memory_space<hbm>>
        tpu.enqueue_dma source(%dma_start3A_204 : memref<1x50xf32, #tpu.memory_space<hbm>>) target(%dma_start3A_202 : memref<1x50xf32, #tpu.memory_space<vmem>>) target_semaphore(%arg12 : memref<!tpu.dma_semaphore, #tpu.memory_space<semaphore_mem>>)
        %slice3A_205 = vector.extract_strided_slice %get3A_49 {offsets = [6], sizes = [1], strides = [1]} : vector<16xi32> to vector<1xi32>
        %squeeze3A_206 = vector.extract %slice3A_205[0] : i32 from vector<1xi32>
        %dma_start3A_207 = arith.constant 0 : i32
        %dma_start3A_208 = tpu.memref_slice %arg10[%add3A_194, %dma_start3A_207] : memref<256x50xf32, #tpu.memory_space<vmem>> -> memref<1x50xf32, #tpu.memory_space<vmem>>
        %dma_start3A_209 = arith.constant 0 : i32
        %dma_start3A_210 = tpu.memref_slice %arg5[%squeeze3A_206, %dma_start3A_209] : memref<1000000x50xf32, #tpu.memory_space<hbm>> -> memref<1x50xf32, #tpu.memory_space<hbm>>
        %dma_start3A_211 = arith.constant 0 : i32
        %dma_start3A_212 = tpu.memref_slice %arg10[%add3A_194, %dma_start3A_211] : memref<256x50xf32, #tpu.memory_space<vmem>> -> memref<1x50xf32, #tpu.memory_space<vmem>>
        %dma_start3A_213 = arith.constant 0 : i32
        %dma_start3A_214 = tpu.memref_slice %arg5[%squeeze3A_206, %dma_start3A_213] : memref<1000000x50xf32, #tpu.memory_space<hbm>> -> memref<1x50xf32, #tpu.memory_space<hbm>>
        tpu.enqueue_dma source(%dma_start3A_214 : memref<1x50xf32, #tpu.memory_space<hbm>>) target(%dma_start3A_212 : memref<1x50xf32, #tpu.memory_space<vmem>>) target_semaphore(%arg12 : memref<!tpu.dma_semaphore, #tpu.memory_space<semaphore_mem>>)
        %mul3A_215 = arith.constant 16 : i32
        %mul3A_216 = arith.muli %scan3A_39, %mul3A_215 : i32
        %add3A_217 = arith.constant 7 : i32
        %add3A_218 = arith.addi %mul3A_216, %add3A_217 : i32
        %slice3A_219 = vector.extract_strided_slice %get3A_44 {offsets = [7], sizes = [1], strides = [1]} : vector<16xi32> to vector<1xi32>
        %squeeze3A_220 = vector.extract %slice3A_219[0] : i32 from vector<1xi32>
        %dma_start3A_221 = arith.constant 0 : i32
        %dma_start3A_222 = tpu.memref_slice %arg9[%add3A_218, %dma_start3A_221] : memref<256x50xf32, #tpu.memory_space<vmem>> -> memref<1x50xf32, #tpu.memory_space<vmem>>
        %dma_start3A_223 = arith.constant 0 : i32
        %dma_start3A_224 = tpu.memref_slice %arg4[%squeeze3A_220, %dma_start3A_223] : memref<1000000x50xf32, #tpu.memory_space<hbm>> -> memref<1x50xf32, #tpu.memory_space<hbm>>
        %dma_start3A_225 = arith.constant 0 : i32
        %dma_start3A_226 = tpu.memref_slice %arg9[%add3A_218, %dma_start3A_225] : memref<256x50xf32, #tpu.memory_space<vmem>> -> memref<1x50xf32, #tpu.memory_space<vmem>>
        %dma_start3A_227 = arith.constant 0 : i32
        %dma_start3A_228 = tpu.memref_slice %arg4[%squeeze3A_220, %dma_start3A_227] : memref<1000000x50xf32, #tpu.memory_space<hbm>> -> memref<1x50xf32, #tpu.memory_space<hbm>>
        tpu.enqueue_dma source(%dma_start3A_228 : memref<1x50xf32, #tpu.memory_space<hbm>>) target(%dma_start3A_226 : memref<1x50xf32, #tpu.memory_space<vmem>>) target_semaphore(%arg12 : memref<!tpu.dma_semaphore, #tpu.memory_space<semaphore_mem>>)
        %slice3A_229 = vector.extract_strided_slice %get3A_49 {offsets = [7], sizes = [1], strides = [1]} : vector<16xi32> to vector<1xi32>
        %squeeze3A_230 = vector.extract %slice3A_229[0] : i32 from vector<1xi32>
        %dma_start3A_231 = arith.constant 0 : i32
        %dma_start3A_232 = tpu.memref_slice %arg10[%add3A_218, %dma_start3A_231] : memref<256x50xf32, #tpu.memory_space<vmem>> -> memref<1x50xf32, #tpu.memory_space<vmem>>
        %dma_start3A_233 = arith.constant 0 : i32
        %dma_start3A_234 = tpu.memref_slice %arg5[%squeeze3A_230, %dma_start3A_233] : memref<1000000x50xf32, #tpu.memory_space<hbm>> -> memref<1x50xf32, #tpu.memory_space<hbm>>
        %dma_start3A_235 = arith.constant 0 : i32
        %dma_start3A_236 = tpu.memref_slice %arg10[%add3A_218, %dma_start3A_235] : memref<256x50xf32, #tpu.memory_space<vmem>> -> memref<1x50xf32, #tpu.memory_space<vmem>>
        %dma_start3A_237 = arith.constant 0 : i32
        %dma_start3A_238 = tpu.memref_slice %arg5[%squeeze3A_230, %dma_start3A_237] : memref<1000000x50xf32, #tpu.memory_space<hbm>> -> memref<1x50xf32, #tpu.memory_space<hbm>>
        tpu.enqueue_dma source(%dma_start3A_238 : memref<1x50xf32, #tpu.memory_space<hbm>>) target(%dma_start3A_236 : memref<1x50xf32, #tpu.memory_space<vmem>>) target_semaphore(%arg12 : memref<!tpu.dma_semaphore, #tpu.memory_space<semaphore_mem>>)
        %mul3A_239 = arith.constant 16 : i32
        %mul3A_240 = arith.muli %scan3A_39, %mul3A_239 : i32
        %add3A_241 = arith.constant 8 : i32
        %add3A_242 = arith.addi %mul3A_240, %add3A_241 : i32
        %slice3A_243 = vector.extract_strided_slice %get3A_44 {offsets = [8], sizes = [1], strides = [1]} : vector<16xi32> to vector<1xi32>
        %squeeze3A_244 = vector.extract %slice3A_243[0] : i32 from vector<1xi32>
        %dma_start3A_245 = arith.constant 0 : i32
        %dma_start3A_246 = tpu.memref_slice %arg9[%add3A_242, %dma_start3A_245] : memref<256x50xf32, #tpu.memory_space<vmem>> -> memref<1x50xf32, #tpu.memory_space<vmem>>
        %dma_start3A_247 = arith.constant 0 : i32
        %dma_start3A_248 = tpu.memref_slice %arg4[%squeeze3A_244, %dma_start3A_247] : memref<1000000x50xf32, #tpu.memory_space<hbm>> -> memref<1x50xf32, #tpu.memory_space<hbm>>
        %dma_start3A_249 = arith.constant 0 : i32
        %dma_start3A_250 = tpu.memref_slice %arg9[%add3A_242, %dma_start3A_249] : memref<256x50xf32, #tpu.memory_space<vmem>> -> memref<1x50xf32, #tpu.memory_space<vmem>>
        %dma_start3A_251 = arith.constant 0 : i32
        %dma_start3A_252 = tpu.memref_slice %arg4[%squeeze3A_244, %dma_start3A_251] : memref<1000000x50xf32, #tpu.memory_space<hbm>> -> memref<1x50xf32, #tpu.memory_space<hbm>>
        tpu.enqueue_dma source(%dma_start3A_252 : memref<1x50xf32, #tpu.memory_space<hbm>>) target(%dma_start3A_250 : memref<1x50xf32, #tpu.memory_space<vmem>>) target_semaphore(%arg12 : memref<!tpu.dma_semaphore, #tpu.memory_space<semaphore_mem>>)
        %slice3A_253 = vector.extract_strided_slice %get3A_49 {offsets = [8], sizes = [1], strides = [1]} : vector<16xi32> to vector<1xi32>
        %squeeze3A_254 = vector.extract %slice3A_253[0] : i32 from vector<1xi32>
        %dma_start3A_255 = arith.constant 0 : i32
        %dma_start3A_256 = tpu.memref_slice %arg10[%add3A_242, %dma_start3A_255] : memref<256x50xf32, #tpu.memory_space<vmem>> -> memref<1x50xf32, #tpu.memory_space<vmem>>
        %dma_start3A_257 = arith.constant 0 : i32
        %dma_start3A_258 = tpu.memref_slice %arg5[%squeeze3A_254, %dma_start3A_257] : memref<1000000x50xf32, #tpu.memory_space<hbm>> -> memref<1x50xf32, #tpu.memory_space<hbm>>
        %dma_start3A_259 = arith.constant 0 : i32
        %dma_start3A_260 = tpu.memref_slice %arg10[%add3A_242, %dma_start3A_259] : memref<256x50xf32, #tpu.memory_space<vmem>> -> memref<1x50xf32, #tpu.memory_space<vmem>>
        %dma_start3A_261 = arith.constant 0 : i32
        %dma_start3A_262 = tpu.memref_slice %arg5[%squeeze3A_254, %dma_start3A_261] : memref<1000000x50xf32, #tpu.memory_space<hbm>> -> memref<1x50xf32, #tpu.memory_space<hbm>>
        tpu.enqueue_dma source(%dma_start3A_262 : memref<1x50xf32, #tpu.memory_space<hbm>>) target(%dma_start3A_260 : memref<1x50xf32, #tpu.memory_space<vmem>>) target_semaphore(%arg12 : memref<!tpu.dma_semaphore, #tpu.memory_space<semaphore_mem>>)
        %mul3A_263 = arith.constant 16 : i32
        %mul3A_264 = arith.muli %scan3A_39, %mul3A_263 : i32
        %add3A_265 = arith.constant 9 : i32
        %add3A_266 = arith.addi %mul3A_264, %add3A_265 : i32
        %slice3A_267 = vector.extract_strided_slice %get3A_44 {offsets = [9], sizes = [1], strides = [1]} : vector<16xi32> to vector<1xi32>
        %squeeze3A_268 = vector.extract %slice3A_267[0] : i32 from vector<1xi32>
        %dma_start3A_269 = arith.constant 0 : i32
        %dma_start3A_270 = tpu.memref_slice %arg9[%add3A_266, %dma_start3A_269] : memref<256x50xf32, #tpu.memory_space<vmem>> -> memref<1x50xf32, #tpu.memory_space<vmem>>
        %dma_start3A_271 = arith.constant 0 : i32
        %dma_start3A_272 = tpu.memref_slice %arg4[%squeeze3A_268, %dma_start3A_271] : memref<1000000x50xf32, #tpu.memory_space<hbm>> -> memref<1x50xf32, #tpu.memory_space<hbm>>
        %dma_start3A_273 = arith.constant 0 : i32
        %dma_start3A_274 = tpu.memref_slice %arg9[%add3A_266, %dma_start3A_273] : memref<256x50xf32, #tpu.memory_space<vmem>> -> memref<1x50xf32, #tpu.memory_space<vmem>>
        %dma_start3A_275 = arith.constant 0 : i32
        %dma_start3A_276 = tpu.memref_slice %arg4[%squeeze3A_268, %dma_start3A_275] : memref<1000000x50xf32, #tpu.memory_space<hbm>> -> memref<1x50xf32, #tpu.memory_space<hbm>>
        tpu.enqueue_dma source(%dma_start3A_276 : memref<1x50xf32, #tpu.memory_space<hbm>>) target(%dma_start3A_274 : memref<1x50xf32, #tpu.memory_space<vmem>>) target_semaphore(%arg12 : memref<!tpu.dma_semaphore, #tpu.memory_space<semaphore_mem>>)
        %slice3A_277 = vector.extract_strided_slice %get3A_49 {offsets = [9], sizes = [1], strides = [1]} : vector<16xi32> to vector<1xi32>
        %squeeze3A_278 = vector.extract %slice3A_277[0] : i32 from vector<1xi32>
        %dma_start3A_279 = arith.constant 0 : i32
        %dma_start3A_280 = tpu.memref_slice %arg10[%add3A_266, %dma_start3A_279] : memref<256x50xf32, #tpu.memory_space<vmem>> -> memref<1x50xf32, #tpu.memory_space<vmem>>
        %dma_start3A_281 = arith.constant 0 : i32
        %dma_start3A_282 = tpu.memref_slice %arg5[%squeeze3A_278, %dma_start3A_281] : memref<1000000x50xf32, #tpu.memory_space<hbm>> -> memref<1x50xf32, #tpu.memory_space<hbm>>
        %dma_start3A_283 = arith.constant 0 : i32
        %dma_start3A_284 = tpu.memref_slice %arg10[%add3A_266, %dma_start3A_283] : memref<256x50xf32, #tpu.memory_space<vmem>> -> memref<1x50xf32, #tpu.memory_space<vmem>>
        %dma_start3A_285 = arith.constant 0 : i32
        %dma_start3A_286 = tpu.memref_slice %arg5[%squeeze3A_278, %dma_start3A_285] : memref<1000000x50xf32, #tpu.memory_space<hbm>> -> memref<1x50xf32, #tpu.memory_space<hbm>>
        tpu.enqueue_dma source(%dma_start3A_286 : memref<1x50xf32, #tpu.memory_space<hbm>>) target(%dma_start3A_284 : memref<1x50xf32, #tpu.memory_space<vmem>>) target_semaphore(%arg12 : memref<!tpu.dma_semaphore, #tpu.memory_space<semaphore_mem>>)
        %mul3A_287 = arith.constant 16 : i32
        %mul3A_288 = arith.muli %scan3A_39, %mul3A_287 : i32
        %add3A_289 = arith.constant 10 : i32
        %add3A_290 = arith.addi %mul3A_288, %add3A_289 : i32
        %slice3A_291 = vector.extract_strided_slice %get3A_44 {offsets = [10], sizes = [1], strides = [1]} : vector<16xi32> to vector<1xi32>
        %squeeze3A_292 = vector.extract %slice3A_291[0] : i32 from vector<1xi32>
        %dma_start3A_293 = arith.constant 0 : i32
        %dma_start3A_294 = tpu.memref_slice %arg9[%add3A_290, %dma_start3A_293] : memref<256x50xf32, #tpu.memory_space<vmem>> -> memref<1x50xf32, #tpu.memory_space<vmem>>
        %dma_start3A_295 = arith.constant 0 : i32
        %dma_start3A_296 = tpu.memref_slice %arg4[%squeeze3A_292, %dma_start3A_295] : memref<1000000x50xf32, #tpu.memory_space<hbm>> -> memref<1x50xf32, #tpu.memory_space<hbm>>
        %dma_start3A_297 = arith.constant 0 : i32
        %dma_start3A_298 = tpu.memref_slice %arg9[%add3A_290, %dma_start3A_297] : memref<256x50xf32, #tpu.memory_space<vmem>> -> memref<1x50xf32, #tpu.memory_space<vmem>>
        %dma_start3A_299 = arith.constant 0 : i32
        %dma_start3A_300 = tpu.memref_slice %arg4[%squeeze3A_292, %dma_start3A_299] : memref<1000000x50xf32, #tpu.memory_space<hbm>> -> memref<1x50xf32, #tpu.memory_space<hbm>>
        tpu.enqueue_dma source(%dma_start3A_300 : memref<1x50xf32, #tpu.memory_space<hbm>>) target(%dma_start3A_298 : memref<1x50xf32, #tpu.memory_space<vmem>>) target_semaphore(%arg12 : memref<!tpu.dma_semaphore, #tpu.memory_space<semaphore_mem>>)
        %slice3A_301 = vector.extract_strided_slice %get3A_49 {offsets = [10], sizes = [1], strides = [1]} : vector<16xi32> to vector<1xi32>
        %squeeze3A_302 = vector.extract %slice3A_301[0] : i32 from vector<1xi32>
        %dma_start3A_303 = arith.constant 0 : i32
        %dma_start3A_304 = tpu.memref_slice %arg10[%add3A_290, %dma_start3A_303] : memref<256x50xf32, #tpu.memory_space<vmem>> -> memref<1x50xf32, #tpu.memory_space<vmem>>
        %dma_start3A_305 = arith.constant 0 : i32
        %dma_start3A_306 = tpu.memref_slice %arg5[%squeeze3A_302, %dma_start3A_305] : memref<1000000x50xf32, #tpu.memory_space<hbm>> -> memref<1x50xf32, #tpu.memory_space<hbm>>
        %dma_start3A_307 = arith.constant 0 : i32
        %dma_start3A_308 = tpu.memref_slice %arg10[%add3A_290, %dma_start3A_307] : memref<256x50xf32, #tpu.memory_space<vmem>> -> memref<1x50xf32, #tpu.memory_space<vmem>>
        %dma_start3A_309 = arith.constant 0 : i32
        %dma_start3A_310 = tpu.memref_slice %arg5[%squeeze3A_302, %dma_start3A_309] : memref<1000000x50xf32, #tpu.memory_space<hbm>> -> memref<1x50xf32, #tpu.memory_space<hbm>>
        tpu.enqueue_dma source(%dma_start3A_310 : memref<1x50xf32, #tpu.memory_space<hbm>>) target(%dma_start3A_308 : memref<1x50xf32, #tpu.memory_space<vmem>>) target_semaphore(%arg12 : memref<!tpu.dma_semaphore, #tpu.memory_space<semaphore_mem>>)
        %mul3A_311 = arith.constant 16 : i32
        %mul3A_312 = arith.muli %scan3A_39, %mul3A_311 : i32
        %add3A_313 = arith.constant 11 : i32
        %add3A_314 = arith.addi %mul3A_312, %add3A_313 : i32
        %slice3A_315 = vector.extract_strided_slice %get3A_44 {offsets = [11], sizes = [1], strides = [1]} : vector<16xi32> to vector<1xi32>
        %squeeze3A_316 = vector.extract %slice3A_315[0] : i32 from vector<1xi32>
        %dma_start3A_317 = arith.constant 0 : i32
        %dma_start3A_318 = tpu.memref_slice %arg9[%add3A_314, %dma_start3A_317] : memref<256x50xf32, #tpu.memory_space<vmem>> -> memref<1x50xf32, #tpu.memory_space<vmem>>
        %dma_start3A_319 = arith.constant 0 : i32
        %dma_start3A_320 = tpu.memref_slice %arg4[%squeeze3A_316, %dma_start3A_319] : memref<1000000x50xf32, #tpu.memory_space<hbm>> -> memref<1x50xf32, #tpu.memory_space<hbm>>
        %dma_start3A_321 = arith.constant 0 : i32
        %dma_start3A_322 = tpu.memref_slice %arg9[%add3A_314, %dma_start3A_321] : memref<256x50xf32, #tpu.memory_space<vmem>> -> memref<1x50xf32, #tpu.memory_space<vmem>>
        %dma_start3A_323 = arith.constant 0 : i32
        %dma_start3A_324 = tpu.memref_slice %arg4[%squeeze3A_316, %dma_start3A_323] : memref<1000000x50xf32, #tpu.memory_space<hbm>> -> memref<1x50xf32, #tpu.memory_space<hbm>>
        tpu.enqueue_dma source(%dma_start3A_324 : memref<1x50xf32, #tpu.memory_space<hbm>>) target(%dma_start3A_322 : memref<1x50xf32, #tpu.memory_space<vmem>>) target_semaphore(%arg12 : memref<!tpu.dma_semaphore, #tpu.memory_space<semaphore_mem>>)
        %slice3A_325 = vector.extract_strided_slice %get3A_49 {offsets = [11], sizes = [1], strides = [1]} : vector<16xi32> to vector<1xi32>
        %squeeze3A_326 = vector.extract %slice3A_325[0] : i32 from vector<1xi32>
        %dma_start3A_327 = arith.constant 0 : i32
        %dma_start3A_328 = tpu.memref_slice %arg10[%add3A_314, %dma_start3A_327] : memref<256x50xf32, #tpu.memory_space<vmem>> -> memref<1x50xf32, #tpu.memory_space<vmem>>
        %dma_start3A_329 = arith.constant 0 : i32
        %dma_start3A_330 = tpu.memref_slice %arg5[%squeeze3A_326, %dma_start3A_329] : memref<1000000x50xf32, #tpu.memory_space<hbm>> -> memref<1x50xf32, #tpu.memory_space<hbm>>
        %dma_start3A_331 = arith.constant 0 : i32
        %dma_start3A_332 = tpu.memref_slice %arg10[%add3A_314, %dma_start3A_331] : memref<256x50xf32, #tpu.memory_space<vmem>> -> memref<1x50xf32, #tpu.memory_space<vmem>>
        %dma_start3A_333 = arith.constant 0 : i32
        %dma_start3A_334 = tpu.memref_slice %arg5[%squeeze3A_326, %dma_start3A_333] : memref<1000000x50xf32, #tpu.memory_space<hbm>> -> memref<1x50xf32, #tpu.memory_space<hbm>>
        tpu.enqueue_dma source(%dma_start3A_334 : memref<1x50xf32, #tpu.memory_space<hbm>>) target(%dma_start3A_332 : memref<1x50xf32, #tpu.memory_space<vmem>>) target_semaphore(%arg12 : memref<!tpu.dma_semaphore, #tpu.memory_space<semaphore_mem>>)
        %mul3A_335 = arith.constant 16 : i32
        %mul3A_336 = arith.muli %scan3A_39, %mul3A_335 : i32
        %add3A_337 = arith.constant 12 : i32
        %add3A_338 = arith.addi %mul3A_336, %add3A_337 : i32
        %slice3A_339 = vector.extract_strided_slice %get3A_44 {offsets = [12], sizes = [1], strides = [1]} : vector<16xi32> to vector<1xi32>
        %squeeze3A_340 = vector.extract %slice3A_339[0] : i32 from vector<1xi32>
        %dma_start3A_341 = arith.constant 0 : i32
        %dma_start3A_342 = tpu.memref_slice %arg9[%add3A_338, %dma_start3A_341] : memref<256x50xf32, #tpu.memory_space<vmem>> -> memref<1x50xf32, #tpu.memory_space<vmem>>
        %dma_start3A_343 = arith.constant 0 : i32
        %dma_start3A_344 = tpu.memref_slice %arg4[%squeeze3A_340, %dma_start3A_343] : memref<1000000x50xf32, #tpu.memory_space<hbm>> -> memref<1x50xf32, #tpu.memory_space<hbm>>
        %dma_start3A_345 = arith.constant 0 : i32
        %dma_start3A_346 = tpu.memref_slice %arg9[%add3A_338, %dma_start3A_345] : memref<256x50xf32, #tpu.memory_space<vmem>> -> memref<1x50xf32, #tpu.memory_space<vmem>>
        %dma_start3A_347 = arith.constant 0 : i32
        %dma_start3A_348 = tpu.memref_slice %arg4[%squeeze3A_340, %dma_start3A_347] : memref<1000000x50xf32, #tpu.memory_space<hbm>> -> memref<1x50xf32, #tpu.memory_space<hbm>>
        tpu.enqueue_dma source(%dma_start3A_348 : memref<1x50xf32, #tpu.memory_space<hbm>>) target(%dma_start3A_346 : memref<1x50xf32, #tpu.memory_space<vmem>>) target_semaphore(%arg12 : memref<!tpu.dma_semaphore, #tpu.memory_space<semaphore_mem>>)
        %slice3A_349 = vector.extract_strided_slice %get3A_49 {offsets = [12], sizes = [1], strides = [1]} : vector<16xi32> to vector<1xi32>
        %squeeze3A_350 = vector.extract %slice3A_349[0] : i32 from vector<1xi32>
        %dma_start3A_351 = arith.constant 0 : i32
        %dma_start3A_352 = tpu.memref_slice %arg10[%add3A_338, %dma_start3A_351] : memref<256x50xf32, #tpu.memory_space<vmem>> -> memref<1x50xf32, #tpu.memory_space<vmem>>
        %dma_start3A_353 = arith.constant 0 : i32
        %dma_start3A_354 = tpu.memref_slice %arg5[%squeeze3A_350, %dma_start3A_353] : memref<1000000x50xf32, #tpu.memory_space<hbm>> -> memref<1x50xf32, #tpu.memory_space<hbm>>
        %dma_start3A_355 = arith.constant 0 : i32
        %dma_start3A_356 = tpu.memref_slice %arg10[%add3A_338, %dma_start3A_355] : memref<256x50xf32, #tpu.memory_space<vmem>> -> memref<1x50xf32, #tpu.memory_space<vmem>>
        %dma_start3A_357 = arith.constant 0 : i32
        %dma_start3A_358 = tpu.memref_slice %arg5[%squeeze3A_350, %dma_start3A_357] : memref<1000000x50xf32, #tpu.memory_space<hbm>> -> memref<1x50xf32, #tpu.memory_space<hbm>>
        tpu.enqueue_dma source(%dma_start3A_358 : memref<1x50xf32, #tpu.memory_space<hbm>>) target(%dma_start3A_356 : memref<1x50xf32, #tpu.memory_space<vmem>>) target_semaphore(%arg12 : memref<!tpu.dma_semaphore, #tpu.memory_space<semaphore_mem>>)
        %mul3A_359 = arith.constant 16 : i32
        %mul3A_360 = arith.muli %scan3A_39, %mul3A_359 : i32
        %add3A_361 = arith.constant 13 : i32
        %add3A_362 = arith.addi %mul3A_360, %add3A_361 : i32
        %slice3A_363 = vector.extract_strided_slice %get3A_44 {offsets = [13], sizes = [1], strides = [1]} : vector<16xi32> to vector<1xi32>
        %squeeze3A_364 = vector.extract %slice3A_363[0] : i32 from vector<1xi32>
        %dma_start3A_365 = arith.constant 0 : i32
        %dma_start3A_366 = tpu.memref_slice %arg9[%add3A_362, %dma_start3A_365] : memref<256x50xf32, #tpu.memory_space<vmem>> -> memref<1x50xf32, #tpu.memory_space<vmem>>
        %dma_start3A_367 = arith.constant 0 : i32
        %dma_start3A_368 = tpu.memref_slice %arg4[%squeeze3A_364, %dma_start3A_367] : memref<1000000x50xf32, #tpu.memory_space<hbm>> -> memref<1x50xf32, #tpu.memory_space<hbm>>
        %dma_start3A_369 = arith.constant 0 : i32
        %dma_start3A_370 = tpu.memref_slice %arg9[%add3A_362, %dma_start3A_369] : memref<256x50xf32, #tpu.memory_space<vmem>> -> memref<1x50xf32, #tpu.memory_space<vmem>>
        %dma_start3A_371 = arith.constant 0 : i32
        %dma_start3A_372 = tpu.memref_slice %arg4[%squeeze3A_364, %dma_start3A_371] : memref<1000000x50xf32, #tpu.memory_space<hbm>> -> memref<1x50xf32, #tpu.memory_space<hbm>>
        tpu.enqueue_dma source(%dma_start3A_372 : memref<1x50xf32, #tpu.memory_space<hbm>>) target(%dma_start3A_370 : memref<1x50xf32, #tpu.memory_space<vmem>>) target_semaphore(%arg12 : memref<!tpu.dma_semaphore, #tpu.memory_space<semaphore_mem>>)
        %slice3A_373 = vector.extract_strided_slice %get3A_49 {offsets = [13], sizes = [1], strides = [1]} : vector<16xi32> to vector<1xi32>
        %squeeze3A_374 = vector.extract %slice3A_373[0] : i32 from vector<1xi32>
        %dma_start3A_375 = arith.constant 0 : i32
        %dma_start3A_376 = tpu.memref_slice %arg10[%add3A_362, %dma_start3A_375] : memref<256x50xf32, #tpu.memory_space<vmem>> -> memref<1x50xf32, #tpu.memory_space<vmem>>
        %dma_start3A_377 = arith.constant 0 : i32
        %dma_start3A_378 = tpu.memref_slice %arg5[%squeeze3A_374, %dma_start3A_377] : memref<1000000x50xf32, #tpu.memory_space<hbm>> -> memref<1x50xf32, #tpu.memory_space<hbm>>
        %dma_start3A_379 = arith.constant 0 : i32
        %dma_start3A_380 = tpu.memref_slice %arg10[%add3A_362, %dma_start3A_379] : memref<256x50xf32, #tpu.memory_space<vmem>> -> memref<1x50xf32, #tpu.memory_space<vmem>>
        %dma_start3A_381 = arith.constant 0 : i32
        %dma_start3A_382 = tpu.memref_slice %arg5[%squeeze3A_374, %dma_start3A_381] : memref<1000000x50xf32, #tpu.memory_space<hbm>> -> memref<1x50xf32, #tpu.memory_space<hbm>>
        tpu.enqueue_dma source(%dma_start3A_382 : memref<1x50xf32, #tpu.memory_space<hbm>>) target(%dma_start3A_380 : memref<1x50xf32, #tpu.memory_space<vmem>>) target_semaphore(%arg12 : memref<!tpu.dma_semaphore, #tpu.memory_space<semaphore_mem>>)
        %mul3A_383 = arith.constant 16 : i32
        %mul3A_384 = arith.muli %scan3A_39, %mul3A_383 : i32
        %add3A_385 = arith.constant 14 : i32
        %add3A_386 = arith.addi %mul3A_384, %add3A_385 : i32
        %slice3A_387 = vector.extract_strided_slice %get3A_44 {offsets = [14], sizes = [1], strides = [1]} : vector<16xi32> to vector<1xi32>
        %squeeze3A_388 = vector.extract %slice3A_387[0] : i32 from vector<1xi32>
        %dma_start3A_389 = arith.constant 0 : i32
        %dma_start3A_390 = tpu.memref_slice %arg9[%add3A_386, %dma_start3A_389] : memref<256x50xf32, #tpu.memory_space<vmem>> -> memref<1x50xf32, #tpu.memory_space<vmem>>
        %dma_start3A_391 = arith.constant 0 : i32
        %dma_start3A_392 = tpu.memref_slice %arg4[%squeeze3A_388, %dma_start3A_391] : memref<1000000x50xf32, #tpu.memory_space<hbm>> -> memref<1x50xf32, #tpu.memory_space<hbm>>
        %dma_start3A_393 = arith.constant 0 : i32
        %dma_start3A_394 = tpu.memref_slice %arg9[%add3A_386, %dma_start3A_393] : memref<256x50xf32, #tpu.memory_space<vmem>> -> memref<1x50xf32, #tpu.memory_space<vmem>>
        %dma_start3A_395 = arith.constant 0 : i32
        %dma_start3A_396 = tpu.memref_slice %arg4[%squeeze3A_388, %dma_start3A_395] : memref<1000000x50xf32, #tpu.memory_space<hbm>> -> memref<1x50xf32, #tpu.memory_space<hbm>>
        tpu.enqueue_dma source(%dma_start3A_396 : memref<1x50xf32, #tpu.memory_space<hbm>>) target(%dma_start3A_394 : memref<1x50xf32, #tpu.memory_space<vmem>>) target_semaphore(%arg12 : memref<!tpu.dma_semaphore, #tpu.memory_space<semaphore_mem>>)
        %slice3A_397 = vector.extract_strided_slice %get3A_49 {offsets = [14], sizes = [1], strides = [1]} : vector<16xi32> to vector<1xi32>
        %squeeze3A_398 = vector.extract %slice3A_397[0] : i32 from vector<1xi32>
        %dma_start3A_399 = arith.constant 0 : i32
        %dma_start3A_400 = tpu.memref_slice %arg10[%add3A_386, %dma_start3A_399] : memref<256x50xf32, #tpu.memory_space<vmem>> -> memref<1x50xf32, #tpu.memory_space<vmem>>
        %dma_start3A_401 = arith.constant 0 : i32
        %dma_start3A_402 = tpu.memref_slice %arg5[%squeeze3A_398, %dma_start3A_401] : memref<1000000x50xf32, #tpu.memory_space<hbm>> -> memref<1x50xf32, #tpu.memory_space<hbm>>
        %dma_start3A_403 = arith.constant 0 : i32
        %dma_start3A_404 = tpu.memref_slice %arg10[%add3A_386, %dma_start3A_403] : memref<256x50xf32, #tpu.memory_space<vmem>> -> memref<1x50xf32, #tpu.memory_space<vmem>>
        %dma_start3A_405 = arith.constant 0 : i32
        %dma_start3A_406 = tpu.memref_slice %arg5[%squeeze3A_398, %dma_start3A_405] : memref<1000000x50xf32, #tpu.memory_space<hbm>> -> memref<1x50xf32, #tpu.memory_space<hbm>>
        tpu.enqueue_dma source(%dma_start3A_406 : memref<1x50xf32, #tpu.memory_space<hbm>>) target(%dma_start3A_404 : memref<1x50xf32, #tpu.memory_space<vmem>>) target_semaphore(%arg12 : memref<!tpu.dma_semaphore, #tpu.memory_space<semaphore_mem>>)
        %mul3A_407 = arith.constant 16 : i32
        %mul3A_408 = arith.muli %scan3A_39, %mul3A_407 : i32
        %add3A_409 = arith.constant 15 : i32
        %add3A_410 = arith.addi %mul3A_408, %add3A_409 : i32
        %slice3A_411 = vector.extract_strided_slice %get3A_44 {offsets = [15], sizes = [1], strides = [1]} : vector<16xi32> to vector<1xi32>
        %squeeze3A_412 = vector.extract %slice3A_411[0] : i32 from vector<1xi32>
        %dma_start3A_413 = arith.constant 0 : i32
        %dma_start3A_414 = tpu.memref_slice %arg9[%add3A_410, %dma_start3A_413] : memref<256x50xf32, #tpu.memory_space<vmem>> -> memref<1x50xf32, #tpu.memory_space<vmem>>
        %dma_start3A_415 = arith.constant 0 : i32
        %dma_start3A_416 = tpu.memref_slice %arg4[%squeeze3A_412, %dma_start3A_415] : memref<1000000x50xf32, #tpu.memory_space<hbm>> -> memref<1x50xf32, #tpu.memory_space<hbm>>
        %dma_start3A_417 = arith.constant 0 : i32
        %dma_start3A_418 = tpu.memref_slice %arg9[%add3A_410, %dma_start3A_417] : memref<256x50xf32, #tpu.memory_space<vmem>> -> memref<1x50xf32, #tpu.memory_space<vmem>>
        %dma_start3A_419 = arith.constant 0 : i32
        %dma_start3A_420 = tpu.memref_slice %arg4[%squeeze3A_412, %dma_start3A_419] : memref<1000000x50xf32, #tpu.memory_space<hbm>> -> memref<1x50xf32, #tpu.memory_space<hbm>>
        tpu.enqueue_dma source(%dma_start3A_420 : memref<1x50xf32, #tpu.memory_space<hbm>>) target(%dma_start3A_418 : memref<1x50xf32, #tpu.memory_space<vmem>>) target_semaphore(%arg12 : memref<!tpu.dma_semaphore, #tpu.memory_space<semaphore_mem>>)
        %slice3A_421 = vector.extract_strided_slice %get3A_49 {offsets = [15], sizes = [1], strides = [1]} : vector<16xi32> to vector<1xi32>
        %squeeze3A_422 = vector.extract %slice3A_421[0] : i32 from vector<1xi32>
        %dma_start3A_423 = arith.constant 0 : i32
        %dma_start3A_424 = tpu.memref_slice %arg10[%add3A_410, %dma_start3A_423] : memref<256x50xf32, #tpu.memory_space<vmem>> -> memref<1x50xf32, #tpu.memory_space<vmem>>
        %dma_start3A_425 = arith.constant 0 : i32
        %dma_start3A_426 = tpu.memref_slice %arg5[%squeeze3A_422, %dma_start3A_425] : memref<1000000x50xf32, #tpu.memory_space<hbm>> -> memref<1x50xf32, #tpu.memory_space<hbm>>
        %dma_start3A_427 = arith.constant 0 : i32
        %dma_start3A_428 = tpu.memref_slice %arg10[%add3A_410, %dma_start3A_427] : memref<256x50xf32, #tpu.memory_space<vmem>> -> memref<1x50xf32, #tpu.memory_space<vmem>>
        %dma_start3A_429 = arith.constant 0 : i32
        %dma_start3A_430 = tpu.memref_slice %arg5[%squeeze3A_422, %dma_start3A_429] : memref<1000000x50xf32, #tpu.memory_space<hbm>> -> memref<1x50xf32, #tpu.memory_space<hbm>>
        tpu.enqueue_dma source(%dma_start3A_430 : memref<1x50xf32, #tpu.memory_space<hbm>>) target(%dma_start3A_428 : memref<1x50xf32, #tpu.memory_space<vmem>>) target_semaphore(%arg12 : memref<!tpu.dma_semaphore, #tpu.memory_space<semaphore_mem>>)
        %scan3A_431 = arith.constant 0 : i32
        scf.yield %scan3A_431 : i32
      }
      %scan3A_19 = arith.constant 16 : i32
      %dma_wait3A = arith.constant 0 : i32
      %dma_wait3A_20 = arith.constant 0 : i32
      %dma_wait3A_21 = tpu.memref_slice %arg4[%dma_wait3A, %dma_wait3A_20] : memref<1000000x50xf32, #tpu.memory_space<hbm>> -> memref<256x50xf32, #tpu.memory_space<hbm>>
      %dma_wait3A_22 = arith.constant 0 : i32
      %dma_wait3A_23 = arith.constant 0 : i32
      %dma_wait3A_24 = tpu.memref_slice %arg4[%dma_wait3A_22, %dma_wait3A_23] : memref<1000000x50xf32, #tpu.memory_space<hbm>> -> memref<256x50xf32, #tpu.memory_space<hbm>>
      tpu.wait_dma2 semaphore(%arg12 : memref<!tpu.dma_semaphore, #tpu.memory_space<semaphore_mem>>) src(%dma_wait3A_24 : memref<256x50xf32, #tpu.memory_space<hbm>>) dst(%arg9 : memref<256x50xf32, #tpu.memory_space<vmem>>)
      %dma_wait3A_25 = arith.constant 0 : i32
      %dma_wait3A_26 = arith.constant 0 : i32
      %dma_wait3A_27 = tpu.memref_slice %arg5[%dma_wait3A_25, %dma_wait3A_26] : memref<1000000x50xf32, #tpu.memory_space<hbm>> -> memref<256x50xf32, #tpu.memory_space<hbm>>
      %dma_wait3A_28 = arith.constant 0 : i32
      %dma_wait3A_29 = arith.constant 0 : i32
      %dma_wait3A_30 = tpu.memref_slice %arg5[%dma_wait3A_28, %dma_wait3A_29] : memref<1000000x50xf32, #tpu.memory_space<hbm>> -> memref<256x50xf32, #tpu.memory_space<hbm>>
      tpu.wait_dma2 semaphore(%arg12 : memref<!tpu.dma_semaphore, #tpu.memory_space<semaphore_mem>>) src(%dma_wait3A_30 : memref<256x50xf32, #tpu.memory_space<hbm>>) dst(%arg10 : memref<256x50xf32, #tpu.memory_space<vmem>>)
      %scan3A_31 = arith.constant 0 : i32
      %scan3A_32 = arith.constant 0 : i32
      %scan3A_33 = arith.constant 16 : i32
      %scan3A_34 = arith.addi %scan3A_32, %scan3A_33 : i32
      %scan3A_35 = arith.constant 1 : i32
      %scan3A_36 = scf.for %scan3A_39 = %scan3A_32 to %scan3A_34 step %scan3A_35 iter_args(%scan3A_40 = %scan3A_31) -> (i32)  : i32 {
        %mul3A_41 = arith.constant 16 : i32
        %mul3A_42 = arith.muli %scan3A_39, %mul3A_41 : i32
        %add3A_43 = vector.broadcast %mul3A_42 : i32 to vector<16xi32>
        %add3A_44 = arith.addi %add3A_43, %iota3A : vector<16xi32>
        %broadcast_in_dim3A = arith.constant 0 : i32
        %broadcast_in_dim3A_45 = vector.broadcast %broadcast_in_dim3A : i32 to vector<16xi32>
        %gather3A = tpu.vector_load_idx %arg9[%add3A_44, %broadcast_in_dim3A_45] : memref<256x50xf32, #tpu.memory_space<vmem>>[vector<16xi32>, vector<16xi32>], vector<16xf32>,
        %broadcast_in_dim3A_46 = arith.constant 0 : i32
        %broadcast_in_dim3A_47 = vector.broadcast %broadcast_in_dim3A_46 : i32 to vector<16xi32>
        %gather3A_48 = tpu.vector_load_idx %arg10[%add3A_44, %broadcast_in_dim3A_47] : memref<256x50xf32, #tpu.memory_space<vmem>>[vector<16xi32>, vector<16xi32>], vector<16xf32>,
        %mul3A_49 = arith.mulf %gather3A, %gather3A_48 : vector<16xf32>
        %broadcast_in_dim3A_50 = arith.constant 1 : i32
        %broadcast_in_dim3A_51 = vector.broadcast %broadcast_in_dim3A_50 : i32 to vector<16xi32>
        %gather3A_52 = tpu.vector_load_idx %arg9[%add3A_44, %broadcast_in_dim3A_51] : memref<256x50xf32, #tpu.memory_space<vmem>>[vector<16xi32>, vector<16xi32>], vector<16xf32>,
        %gather3A_53 = tpu.vector_load_idx %arg10[%add3A_44, %broadcast_in_dim3A_51] : memref<256x50xf32, #tpu.memory_space<vmem>>[vector<16xi32>, vector<16xi32>], vector<16xf32>,
        %mul3A_54 = arith.mulf %gather3A_52, %gather3A_53 : vector<16xf32>
        %add3A_55 = arith.addf %mul3A_49, %mul3A_54 : vector<16xf32>
        %broadcast_in_dim3A_56 = arith.constant 2 : i32
        %broadcast_in_dim3A_57 = vector.broadcast %broadcast_in_dim3A_56 : i32 to vector<16xi32>
        %gather3A_58 = tpu.vector_load_idx %arg9[%add3A_44, %broadcast_in_dim3A_57] : memref<256x50xf32, #tpu.memory_space<vmem>>[vector<16xi32>, vector<16xi32>], vector<16xf32>,
        %gather3A_59 = tpu.vector_load_idx %arg10[%add3A_44, %broadcast_in_dim3A_57] : memref<256x50xf32, #tpu.memory_space<vmem>>[vector<16xi32>, vector<16xi32>], vector<16xf32>,
        %mul3A_60 = arith.mulf %gather3A_58, %gather3A_59 : vector<16xf32>
        %add3A_61 = arith.addf %add3A_55, %mul3A_60 : vector<16xf32>
        %broadcast_in_dim3A_62 = arith.constant 3 : i32
        %broadcast_in_dim3A_63 = vector.broadcast %broadcast_in_dim3A_62 : i32 to vector<16xi32>
        %gather3A_64 = tpu.vector_load_idx %arg9[%add3A_44, %broadcast_in_dim3A_63] : memref<256x50xf32, #tpu.memory_space<vmem>>[vector<16xi32>, vector<16xi32>], vector<16xf32>,
        %gather3A_65 = tpu.vector_load_idx %arg10[%add3A_44, %broadcast_in_dim3A_63] : memref<256x50xf32, #tpu.memory_space<vmem>>[vector<16xi32>, vector<16xi32>], vector<16xf32>,
        %mul3A_66 = arith.mulf %gather3A_64, %gather3A_65 : vector<16xf32>
        %add3A_67 = arith.addf %add3A_61, %mul3A_66 : vector<16xf32>
        %broadcast_in_dim3A_68 = arith.constant 4 : i32
        %broadcast_in_dim3A_69 = vector.broadcast %broadcast_in_dim3A_68 : i32 to vector<16xi32>
        %gather3A_70 = tpu.vector_load_idx %arg9[%add3A_44, %broadcast_in_dim3A_69] : memref<256x50xf32, #tpu.memory_space<vmem>>[vector<16xi32>, vector<16xi32>], vector<16xf32>,
        %gather3A_71 = tpu.vector_load_idx %arg10[%add3A_44, %broadcast_in_dim3A_69] : memref<256x50xf32, #tpu.memory_space<vmem>>[vector<16xi32>, vector<16xi32>], vector<16xf32>,
        %mul3A_72 = arith.mulf %gather3A_70, %gather3A_71 : vector<16xf32>
        %add3A_73 = arith.addf %add3A_67, %mul3A_72 : vector<16xf32>
        %broadcast_in_dim3A_74 = arith.constant 5 : i32
        %broadcast_in_dim3A_75 = vector.broadcast %broadcast_in_dim3A_74 : i32 to vector<16xi32>
        %gather3A_76 = tpu.vector_load_idx %arg9[%add3A_44, %broadcast_in_dim3A_75] : memref<256x50xf32, #tpu.memory_space<vmem>>[vector<16xi32>, vector<16xi32>], vector<16xf32>,
        %gather3A_77 = tpu.vector_load_idx %arg10[%add3A_44, %broadcast_in_dim3A_75] : memref<256x50xf32, #tpu.memory_space<vmem>>[vector<16xi32>, vector<16xi32>], vector<16xf32>,
        %mul3A_78 = arith.mulf %gather3A_76, %gather3A_77 : vector<16xf32>
        %add3A_79 = arith.addf %add3A_73, %mul3A_78 : vector<16xf32>
        %broadcast_in_dim3A_80 = arith.constant 6 : i32
        %broadcast_in_dim3A_81 = vector.broadcast %broadcast_in_dim3A_80 : i32 to vector<16xi32>
        %gather3A_82 = tpu.vector_load_idx %arg9[%add3A_44, %broadcast_in_dim3A_81] : memref<256x50xf32, #tpu.memory_space<vmem>>[vector<16xi32>, vector<16xi32>], vector<16xf32>,
        %gather3A_83 = tpu.vector_load_idx %arg10[%add3A_44, %broadcast_in_dim3A_81] : memref<256x50xf32, #tpu.memory_space<vmem>>[vector<16xi32>, vector<16xi32>], vector<16xf32>,
        %mul3A_84 = arith.mulf %gather3A_82, %gather3A_83 : vector<16xf32>
        %add3A_85 = arith.addf %add3A_79, %mul3A_84 : vector<16xf32>
        %broadcast_in_dim3A_86 = arith.constant 7 : i32
        %broadcast_in_dim3A_87 = vector.broadcast %broadcast_in_dim3A_86 : i32 to vector<16xi32>
        %gather3A_88 = tpu.vector_load_idx %arg9[%add3A_44, %broadcast_in_dim3A_87] : memref<256x50xf32, #tpu.memory_space<vmem>>[vector<16xi32>, vector<16xi32>], vector<16xf32>,
        %gather3A_89 = tpu.vector_load_idx %arg10[%add3A_44, %broadcast_in_dim3A_87] : memref<256x50xf32, #tpu.memory_space<vmem>>[vector<16xi32>, vector<16xi32>], vector<16xf32>,
        %mul3A_90 = arith.mulf %gather3A_88, %gather3A_89 : vector<16xf32>
        %add3A_91 = arith.addf %add3A_85, %mul3A_90 : vector<16xf32>
        %broadcast_in_dim3A_92 = arith.constant 8 : i32
        %broadcast_in_dim3A_93 = vector.broadcast %broadcast_in_dim3A_92 : i32 to vector<16xi32>
        %gather3A_94 = tpu.vector_load_idx %arg9[%add3A_44, %broadcast_in_dim3A_93] : memref<256x50xf32, #tpu.memory_space<vmem>>[vector<16xi32>, vector<16xi32>], vector<16xf32>,
        %gather3A_95 = tpu.vector_load_idx %arg10[%add3A_44, %broadcast_in_dim3A_93] : memref<256x50xf32, #tpu.memory_space<vmem>>[vector<16xi32>, vector<16xi32>], vector<16xf32>,
        %mul3A_96 = arith.mulf %gather3A_94, %gather3A_95 : vector<16xf32>
        %add3A_97 = arith.addf %add3A_91, %mul3A_96 : vector<16xf32>
        %broadcast_in_dim3A_98 = arith.constant 9 : i32
        %broadcast_in_dim3A_99 = vector.broadcast %broadcast_in_dim3A_98 : i32 to vector<16xi32>
        %gather3A_100 = tpu.vector_load_idx %arg9[%add3A_44, %broadcast_in_dim3A_99] : memref<256x50xf32, #tpu.memory_space<vmem>>[vector<16xi32>, vector<16xi32>], vector<16xf32>,
        %gather3A_101 = tpu.vector_load_idx %arg10[%add3A_44, %broadcast_in_dim3A_99] : memref<256x50xf32, #tpu.memory_space<vmem>>[vector<16xi32>, vector<16xi32>], vector<16xf32>,
        %mul3A_102 = arith.mulf %gather3A_100, %gather3A_101 : vector<16xf32>
        %add3A_103 = arith.addf %add3A_97, %mul3A_102 : vector<16xf32>
        %broadcast_in_dim3A_104 = arith.constant 10 : i32
        %broadcast_in_dim3A_105 = vector.broadcast %broadcast_in_dim3A_104 : i32 to vector<16xi32>
        %gather3A_106 = tpu.vector_load_idx %arg9[%add3A_44, %broadcast_in_dim3A_105] : memref<256x50xf32, #tpu.memory_space<vmem>>[vector<16xi32>, vector<16xi32>], vector<16xf32>,
        %gather3A_107 = tpu.vector_load_idx %arg10[%add3A_44, %broadcast_in_dim3A_105] : memref<256x50xf32, #tpu.memory_space<vmem>>[vector<16xi32>, vector<16xi32>], vector<16xf32>,
        %mul3A_108 = arith.mulf %gather3A_106, %gather3A_107 : vector<16xf32>
        %add3A_109 = arith.addf %add3A_103, %mul3A_108 : vector<16xf32>
        %broadcast_in_dim3A_110 = arith.constant 11 : i32
        %broadcast_in_dim3A_111 = vector.broadcast %broadcast_in_dim3A_110 : i32 to vector<16xi32>
        %gather3A_112 = tpu.vector_load_idx %arg9[%add3A_44, %broadcast_in_dim3A_111] : memref<256x50xf32, #tpu.memory_space<vmem>>[vector<16xi32>, vector<16xi32>], vector<16xf32>,
        %gather3A_113 = tpu.vector_load_idx %arg10[%add3A_44, %broadcast_in_dim3A_111] : memref<256x50xf32, #tpu.memory_space<vmem>>[vector<16xi32>, vector<16xi32>], vector<16xf32>,
        %mul3A_114 = arith.mulf %gather3A_112, %gather3A_113 : vector<16xf32>
        %add3A_115 = arith.addf %add3A_109, %mul3A_114 : vector<16xf32>
        %broadcast_in_dim3A_116 = arith.constant 12 : i32
        %broadcast_in_dim3A_117 = vector.broadcast %broadcast_in_dim3A_116 : i32 to vector<16xi32>
        %gather3A_118 = tpu.vector_load_idx %arg9[%add3A_44, %broadcast_in_dim3A_117] : memref<256x50xf32, #tpu.memory_space<vmem>>[vector<16xi32>, vector<16xi32>], vector<16xf32>,
        %gather3A_119 = tpu.vector_load_idx %arg10[%add3A_44, %broadcast_in_dim3A_117] : memref<256x50xf32, #tpu.memory_space<vmem>>[vector<16xi32>, vector<16xi32>], vector<16xf32>,
        %mul3A_120 = arith.mulf %gather3A_118, %gather3A_119 : vector<16xf32>
        %add3A_121 = arith.addf %add3A_115, %mul3A_120 : vector<16xf32>
        %broadcast_in_dim3A_122 = arith.constant 13 : i32
        %broadcast_in_dim3A_123 = vector.broadcast %broadcast_in_dim3A_122 : i32 to vector<16xi32>
        %gather3A_124 = tpu.vector_load_idx %arg9[%add3A_44, %broadcast_in_dim3A_123] : memref<256x50xf32, #tpu.memory_space<vmem>>[vector<16xi32>, vector<16xi32>], vector<16xf32>,
        %gather3A_125 = tpu.vector_load_idx %arg10[%add3A_44, %broadcast_in_dim3A_123] : memref<256x50xf32, #tpu.memory_space<vmem>>[vector<16xi32>, vector<16xi32>], vector<16xf32>,
        %mul3A_126 = arith.mulf %gather3A_124, %gather3A_125 : vector<16xf32>
        %add3A_127 = arith.addf %add3A_121, %mul3A_126 : vector<16xf32>
        %broadcast_in_dim3A_128 = arith.constant 14 : i32
        %broadcast_in_dim3A_129 = vector.broadcast %broadcast_in_dim3A_128 : i32 to vector<16xi32>
        %gather3A_130 = tpu.vector_load_idx %arg9[%add3A_44, %broadcast_in_dim3A_129] : memref<256x50xf32, #tpu.memory_space<vmem>>[vector<16xi32>, vector<16xi32>], vector<16xf32>,
        %gather3A_131 = tpu.vector_load_idx %arg10[%add3A_44, %broadcast_in_dim3A_129] : memref<256x50xf32, #tpu.memory_space<vmem>>[vector<16xi32>, vector<16xi32>], vector<16xf32>,
        %mul3A_132 = arith.mulf %gather3A_130, %gather3A_131 : vector<16xf32>
        %add3A_133 = arith.addf %add3A_127, %mul3A_132 : vector<16xf32>
        %broadcast_in_dim3A_134 = arith.constant 15 : i32
        %broadcast_in_dim3A_135 = vector.broadcast %broadcast_in_dim3A_134 : i32 to vector<16xi32>
        %gather3A_136 = tpu.vector_load_idx %arg9[%add3A_44, %broadcast_in_dim3A_135] : memref<256x50xf32, #tpu.memory_space<vmem>>[vector<16xi32>, vector<16xi32>], vector<16xf32>,
        %gather3A_137 = tpu.vector_load_idx %arg10[%add3A_44, %broadcast_in_dim3A_135] : memref<256x50xf32, #tpu.memory_space<vmem>>[vector<16xi32>, vector<16xi32>], vector<16xf32>,
        %mul3A_138 = arith.mulf %gather3A_136, %gather3A_137 : vector<16xf32>
        %add3A_139 = arith.addf %add3A_133, %mul3A_138 : vector<16xf32>
        %broadcast_in_dim3A_140 = arith.constant 16 : i32
        %broadcast_in_dim3A_141 = vector.broadcast %broadcast_in_dim3A_140 : i32 to vector<16xi32>
        %gather3A_142 = tpu.vector_load_idx %arg9[%add3A_44, %broadcast_in_dim3A_141] : memref<256x50xf32, #tpu.memory_space<vmem>>[vector<16xi32>, vector<16xi32>], vector<16xf32>,
        %gather3A_143 = tpu.vector_load_idx %arg10[%add3A_44, %broadcast_in_dim3A_141] : memref<256x50xf32, #tpu.memory_space<vmem>>[vector<16xi32>, vector<16xi32>], vector<16xf32>,
        %mul3A_144 = arith.mulf %gather3A_142, %gather3A_143 : vector<16xf32>
        %add3A_145 = arith.addf %add3A_139, %mul3A_144 : vector<16xf32>
        %broadcast_in_dim3A_146 = arith.constant 17 : i32
        %broadcast_in_dim3A_147 = vector.broadcast %broadcast_in_dim3A_146 : i32 to vector<16xi32>
        %gather3A_148 = tpu.vector_load_idx %arg9[%add3A_44, %broadcast_in_dim3A_147] : memref<256x50xf32, #tpu.memory_space<vmem>>[vector<16xi32>, vector<16xi32>], vector<16xf32>,
        %gather3A_149 = tpu.vector_load_idx %arg10[%add3A_44, %broadcast_in_dim3A_147] : memref<256x50xf32, #tpu.memory_space<vmem>>[vector<16xi32>, vector<16xi32>], vector<16xf32>,
        %mul3A_150 = arith.mulf %gather3A_148, %gather3A_149 : vector<16xf32>
        %add3A_151 = arith.addf %add3A_145, %mul3A_150 : vector<16xf32>
        %broadcast_in_dim3A_152 = arith.constant 18 : i32
        %broadcast_in_dim3A_153 = vector.broadcast %broadcast_in_dim3A_152 : i32 to vector<16xi32>
        %gather3A_154 = tpu.vector_load_idx %arg9[%add3A_44, %broadcast_in_dim3A_153] : memref<256x50xf32, #tpu.memory_space<vmem>>[vector<16xi32>, vector<16xi32>], vector<16xf32>,
        %gather3A_155 = tpu.vector_load_idx %arg10[%add3A_44, %broadcast_in_dim3A_153] : memref<256x50xf32, #tpu.memory_space<vmem>>[vector<16xi32>, vector<16xi32>], vector<16xf32>,
        %mul3A_156 = arith.mulf %gather3A_154, %gather3A_155 : vector<16xf32>
        %add3A_157 = arith.addf %add3A_151, %mul3A_156 : vector<16xf32>
        %broadcast_in_dim3A_158 = arith.constant 19 : i32
        %broadcast_in_dim3A_159 = vector.broadcast %broadcast_in_dim3A_158 : i32 to vector<16xi32>
        %gather3A_160 = tpu.vector_load_idx %arg9[%add3A_44, %broadcast_in_dim3A_159] : memref<256x50xf32, #tpu.memory_space<vmem>>[vector<16xi32>, vector<16xi32>], vector<16xf32>,
        %gather3A_161 = tpu.vector_load_idx %arg10[%add3A_44, %broadcast_in_dim3A_159] : memref<256x50xf32, #tpu.memory_space<vmem>>[vector<16xi32>, vector<16xi32>], vector<16xf32>,
        %mul3A_162 = arith.mulf %gather3A_160, %gather3A_161 : vector<16xf32>
        %add3A_163 = arith.addf %add3A_157, %mul3A_162 : vector<16xf32>
        %broadcast_in_dim3A_164 = arith.constant 20 : i32
        %broadcast_in_dim3A_165 = vector.broadcast %broadcast_in_dim3A_164 : i32 to vector<16xi32>
        %gather3A_166 = tpu.vector_load_idx %arg9[%add3A_44, %broadcast_in_dim3A_165] : memref<256x50xf32, #tpu.memory_space<vmem>>[vector<16xi32>, vector<16xi32>], vector<16xf32>,
        %gather3A_167 = tpu.vector_load_idx %arg10[%add3A_44, %broadcast_in_dim3A_165] : memref<256x50xf32, #tpu.memory_space<vmem>>[vector<16xi32>, vector<16xi32>], vector<16xf32>,
        %mul3A_168 = arith.mulf %gather3A_166, %gather3A_167 : vector<16xf32>
        %add3A_169 = arith.addf %add3A_163, %mul3A_168 : vector<16xf32>
        %broadcast_in_dim3A_170 = arith.constant 21 : i32
        %broadcast_in_dim3A_171 = vector.broadcast %broadcast_in_dim3A_170 : i32 to vector<16xi32>
        %gather3A_172 = tpu.vector_load_idx %arg9[%add3A_44, %broadcast_in_dim3A_171] : memref<256x50xf32, #tpu.memory_space<vmem>>[vector<16xi32>, vector<16xi32>], vector<16xf32>,
        %gather3A_173 = tpu.vector_load_idx %arg10[%add3A_44, %broadcast_in_dim3A_171] : memref<256x50xf32, #tpu.memory_space<vmem>>[vector<16xi32>, vector<16xi32>], vector<16xf32>,
        %mul3A_174 = arith.mulf %gather3A_172, %gather3A_173 : vector<16xf32>
        %add3A_175 = arith.addf %add3A_169, %mul3A_174 : vector<16xf32>
        %broadcast_in_dim3A_176 = arith.constant 22 : i32
        %broadcast_in_dim3A_177 = vector.broadcast %broadcast_in_dim3A_176 : i32 to vector<16xi32>
        %gather3A_178 = tpu.vector_load_idx %arg9[%add3A_44, %broadcast_in_dim3A_177] : memref<256x50xf32, #tpu.memory_space<vmem>>[vector<16xi32>, vector<16xi32>], vector<16xf32>,
        %gather3A_179 = tpu.vector_load_idx %arg10[%add3A_44, %broadcast_in_dim3A_177] : memref<256x50xf32, #tpu.memory_space<vmem>>[vector<16xi32>, vector<16xi32>], vector<16xf32>,
        %mul3A_180 = arith.mulf %gather3A_178, %gather3A_179 : vector<16xf32>
        %add3A_181 = arith.addf %add3A_175, %mul3A_180 : vector<16xf32>
        %broadcast_in_dim3A_182 = arith.constant 23 : i32
        %broadcast_in_dim3A_183 = vector.broadcast %broadcast_in_dim3A_182 : i32 to vector<16xi32>
        %gather3A_184 = tpu.vector_load_idx %arg9[%add3A_44, %broadcast_in_dim3A_183] : memref<256x50xf32, #tpu.memory_space<vmem>>[vector<16xi32>, vector<16xi32>], vector<16xf32>,
        %gather3A_185 = tpu.vector_load_idx %arg10[%add3A_44, %broadcast_in_dim3A_183] : memref<256x50xf32, #tpu.memory_space<vmem>>[vector<16xi32>, vector<16xi32>], vector<16xf32>,
        %mul3A_186 = arith.mulf %gather3A_184, %gather3A_185 : vector<16xf32>
        %add3A_187 = arith.addf %add3A_181, %mul3A_186 : vector<16xf32>
        %broadcast_in_dim3A_188 = arith.constant 24 : i32
        %broadcast_in_dim3A_189 = vector.broadcast %broadcast_in_dim3A_188 : i32 to vector<16xi32>
        %gather3A_190 = tpu.vector_load_idx %arg9[%add3A_44, %broadcast_in_dim3A_189] : memref<256x50xf32, #tpu.memory_space<vmem>>[vector<16xi32>, vector<16xi32>], vector<16xf32>,
        %gather3A_191 = tpu.vector_load_idx %arg10[%add3A_44, %broadcast_in_dim3A_189] : memref<256x50xf32, #tpu.memory_space<vmem>>[vector<16xi32>, vector<16xi32>], vector<16xf32>,
        %mul3A_192 = arith.mulf %gather3A_190, %gather3A_191 : vector<16xf32>
        %add3A_193 = arith.addf %add3A_187, %mul3A_192 : vector<16xf32>
        %broadcast_in_dim3A_194 = arith.constant 25 : i32
        %broadcast_in_dim3A_195 = vector.broadcast %broadcast_in_dim3A_194 : i32 to vector<16xi32>
        %gather3A_196 = tpu.vector_load_idx %arg9[%add3A_44, %broadcast_in_dim3A_195] : memref<256x50xf32, #tpu.memory_space<vmem>>[vector<16xi32>, vector<16xi32>], vector<16xf32>,
        %gather3A_197 = tpu.vector_load_idx %arg10[%add3A_44, %broadcast_in_dim3A_195] : memref<256x50xf32, #tpu.memory_space<vmem>>[vector<16xi32>, vector<16xi32>], vector<16xf32>,
        %mul3A_198 = arith.mulf %gather3A_196, %gather3A_197 : vector<16xf32>
        %add3A_199 = arith.addf %add3A_193, %mul3A_198 : vector<16xf32>
        %broadcast_in_dim3A_200 = arith.constant 26 : i32
        %broadcast_in_dim3A_201 = vector.broadcast %broadcast_in_dim3A_200 : i32 to vector<16xi32>
        %gather3A_202 = tpu.vector_load_idx %arg9[%add3A_44, %broadcast_in_dim3A_201] : memref<256x50xf32, #tpu.memory_space<vmem>>[vector<16xi32>, vector<16xi32>], vector<16xf32>,
        %gather3A_203 = tpu.vector_load_idx %arg10[%add3A_44, %broadcast_in_dim3A_201] : memref<256x50xf32, #tpu.memory_space<vmem>>[vector<16xi32>, vector<16xi32>], vector<16xf32>,
        %mul3A_204 = arith.mulf %gather3A_202, %gather3A_203 : vector<16xf32>
        %add3A_205 = arith.addf %add3A_199, %mul3A_204 : vector<16xf32>
        %broadcast_in_dim3A_206 = arith.constant 27 : i32
        %broadcast_in_dim3A_207 = vector.broadcast %broadcast_in_dim3A_206 : i32 to vector<16xi32>
        %gather3A_208 = tpu.vector_load_idx %arg9[%add3A_44, %broadcast_in_dim3A_207] : memref<256x50xf32, #tpu.memory_space<vmem>>[vector<16xi32>, vector<16xi32>], vector<16xf32>,
        %gather3A_209 = tpu.vector_load_idx %arg10[%add3A_44, %broadcast_in_dim3A_207] : memref<256x50xf32, #tpu.memory_space<vmem>>[vector<16xi32>, vector<16xi32>], vector<16xf32>,
        %mul3A_210 = arith.mulf %gather3A_208, %gather3A_209 : vector<16xf32>
        %add3A_211 = arith.addf %add3A_205, %mul3A_210 : vector<16xf32>
        %broadcast_in_dim3A_212 = arith.constant 28 : i32
        %broadcast_in_dim3A_213 = vector.broadcast %broadcast_in_dim3A_212 : i32 to vector<16xi32>
        %gather3A_214 = tpu.vector_load_idx %arg9[%add3A_44, %broadcast_in_dim3A_213] : memref<256x50xf32, #tpu.memory_space<vmem>>[vector<16xi32>, vector<16xi32>], vector<16xf32>,
        %gather3A_215 = tpu.vector_load_idx %arg10[%add3A_44, %broadcast_in_dim3A_213] : memref<256x50xf32, #tpu.memory_space<vmem>>[vector<16xi32>, vector<16xi32>], vector<16xf32>,
        %mul3A_216 = arith.mulf %gather3A_214, %gather3A_215 : vector<16xf32>
        %add3A_217 = arith.addf %add3A_211, %mul3A_216 : vector<16xf32>
        %broadcast_in_dim3A_218 = arith.constant 29 : i32
        %broadcast_in_dim3A_219 = vector.broadcast %broadcast_in_dim3A_218 : i32 to vector<16xi32>
        %gather3A_220 = tpu.vector_load_idx %arg9[%add3A_44, %broadcast_in_dim3A_219] : memref<256x50xf32, #tpu.memory_space<vmem>>[vector<16xi32>, vector<16xi32>], vector<16xf32>,
        %gather3A_221 = tpu.vector_load_idx %arg10[%add3A_44, %broadcast_in_dim3A_219] : memref<256x50xf32, #tpu.memory_space<vmem>>[vector<16xi32>, vector<16xi32>], vector<16xf32>,
        %mul3A_222 = arith.mulf %gather3A_220, %gather3A_221 : vector<16xf32>
        %add3A_223 = arith.addf %add3A_217, %mul3A_222 : vector<16xf32>
        %broadcast_in_dim3A_224 = arith.constant 30 : i32
        %broadcast_in_dim3A_225 = vector.broadcast %broadcast_in_dim3A_224 : i32 to vector<16xi32>
        %gather3A_226 = tpu.vector_load_idx %arg9[%add3A_44, %broadcast_in_dim3A_225] : memref<256x50xf32, #tpu.memory_space<vmem>>[vector<16xi32>, vector<16xi32>], vector<16xf32>,
        %gather3A_227 = tpu.vector_load_idx %arg10[%add3A_44, %broadcast_in_dim3A_225] : memref<256x50xf32, #tpu.memory_space<vmem>>[vector<16xi32>, vector<16xi32>], vector<16xf32>,
        %mul3A_228 = arith.mulf %gather3A_226, %gather3A_227 : vector<16xf32>
        %add3A_229 = arith.addf %add3A_223, %mul3A_228 : vector<16xf32>
        %broadcast_in_dim3A_230 = arith.constant 31 : i32
        %broadcast_in_dim3A_231 = vector.broadcast %broadcast_in_dim3A_230 : i32 to vector<16xi32>
        %gather3A_232 = tpu.vector_load_idx %arg9[%add3A_44, %broadcast_in_dim3A_231] : memref<256x50xf32, #tpu.memory_space<vmem>>[vector<16xi32>, vector<16xi32>], vector<16xf32>,
        %gather3A_233 = tpu.vector_load_idx %arg10[%add3A_44, %broadcast_in_dim3A_231] : memref<256x50xf32, #tpu.memory_space<vmem>>[vector<16xi32>, vector<16xi32>], vector<16xf32>,
        %mul3A_234 = arith.mulf %gather3A_232, %gather3A_233 : vector<16xf32>
        %add3A_235 = arith.addf %add3A_229, %mul3A_234 : vector<16xf32>
        %broadcast_in_dim3A_236 = arith.constant 32 : i32
        %broadcast_in_dim3A_237 = vector.broadcast %broadcast_in_dim3A_236 : i32 to vector<16xi32>
        %gather3A_238 = tpu.vector_load_idx %arg9[%add3A_44, %broadcast_in_dim3A_237] : memref<256x50xf32, #tpu.memory_space<vmem>>[vector<16xi32>, vector<16xi32>], vector<16xf32>,
        %gather3A_239 = tpu.vector_load_idx %arg10[%add3A_44, %broadcast_in_dim3A_237] : memref<256x50xf32, #tpu.memory_space<vmem>>[vector<16xi32>, vector<16xi32>], vector<16xf32>,
        %mul3A_240 = arith.mulf %gather3A_238, %gather3A_239 : vector<16xf32>
        %add3A_241 = arith.addf %add3A_235, %mul3A_240 : vector<16xf32>
        %broadcast_in_dim3A_242 = arith.constant 33 : i32
        %broadcast_in_dim3A_243 = vector.broadcast %broadcast_in_dim3A_242 : i32 to vector<16xi32>
        %gather3A_244 = tpu.vector_load_idx %arg9[%add3A_44, %broadcast_in_dim3A_243] : memref<256x50xf32, #tpu.memory_space<vmem>>[vector<16xi32>, vector<16xi32>], vector<16xf32>,
        %gather3A_245 = tpu.vector_load_idx %arg10[%add3A_44, %broadcast_in_dim3A_243] : memref<256x50xf32, #tpu.memory_space<vmem>>[vector<16xi32>, vector<16xi32>], vector<16xf32>,
        %mul3A_246 = arith.mulf %gather3A_244, %gather3A_245 : vector<16xf32>
        %add3A_247 = arith.addf %add3A_241, %mul3A_246 : vector<16xf32>
        %broadcast_in_dim3A_248 = arith.constant 34 : i32
        %broadcast_in_dim3A_249 = vector.broadcast %broadcast_in_dim3A_248 : i32 to vector<16xi32>
        %gather3A_250 = tpu.vector_load_idx %arg9[%add3A_44, %broadcast_in_dim3A_249] : memref<256x50xf32, #tpu.memory_space<vmem>>[vector<16xi32>, vector<16xi32>], vector<16xf32>,
        %gather3A_251 = tpu.vector_load_idx %arg10[%add3A_44, %broadcast_in_dim3A_249] : memref<256x50xf32, #tpu.memory_space<vmem>>[vector<16xi32>, vector<16xi32>], vector<16xf32>,
        %mul3A_252 = arith.mulf %gather3A_250, %gather3A_251 : vector<16xf32>
        %add3A_253 = arith.addf %add3A_247, %mul3A_252 : vector<16xf32>
        %broadcast_in_dim3A_254 = arith.constant 35 : i32
        %broadcast_in_dim3A_255 = vector.broadcast %broadcast_in_dim3A_254 : i32 to vector<16xi32>
        %gather3A_256 = tpu.vector_load_idx %arg9[%add3A_44, %broadcast_in_dim3A_255] : memref<256x50xf32, #tpu.memory_space<vmem>>[vector<16xi32>, vector<16xi32>], vector<16xf32>,
        %gather3A_257 = tpu.vector_load_idx %arg10[%add3A_44, %broadcast_in_dim3A_255] : memref<256x50xf32, #tpu.memory_space<vmem>>[vector<16xi32>, vector<16xi32>], vector<16xf32>,
        %mul3A_258 = arith.mulf %gather3A_256, %gather3A_257 : vector<16xf32>
        %add3A_259 = arith.addf %add3A_253, %mul3A_258 : vector<16xf32>
        %broadcast_in_dim3A_260 = arith.constant 36 : i32
        %broadcast_in_dim3A_261 = vector.broadcast %broadcast_in_dim3A_260 : i32 to vector<16xi32>
        %gather3A_262 = tpu.vector_load_idx %arg9[%add3A_44, %broadcast_in_dim3A_261] : memref<256x50xf32, #tpu.memory_space<vmem>>[vector<16xi32>, vector<16xi32>], vector<16xf32>,
        %gather3A_263 = tpu.vector_load_idx %arg10[%add3A_44, %broadcast_in_dim3A_261] : memref<256x50xf32, #tpu.memory_space<vmem>>[vector<16xi32>, vector<16xi32>], vector<16xf32>,
        %mul3A_264 = arith.mulf %gather3A_262, %gather3A_263 : vector<16xf32>
        %add3A_265 = arith.addf %add3A_259, %mul3A_264 : vector<16xf32>
        %broadcast_in_dim3A_266 = arith.constant 37 : i32
        %broadcast_in_dim3A_267 = vector.broadcast %broadcast_in_dim3A_266 : i32 to vector<16xi32>
        %gather3A_268 = tpu.vector_load_idx %arg9[%add3A_44, %broadcast_in_dim3A_267] : memref<256x50xf32, #tpu.memory_space<vmem>>[vector<16xi32>, vector<16xi32>], vector<16xf32>,
        %gather3A_269 = tpu.vector_load_idx %arg10[%add3A_44, %broadcast_in_dim3A_267] : memref<256x50xf32, #tpu.memory_space<vmem>>[vector<16xi32>, vector<16xi32>], vector<16xf32>,
        %mul3A_270 = arith.mulf %gather3A_268, %gather3A_269 : vector<16xf32>
        %add3A_271 = arith.addf %add3A_265, %mul3A_270 : vector<16xf32>
        %broadcast_in_dim3A_272 = arith.constant 38 : i32
        %broadcast_in_dim3A_273 = vector.broadcast %broadcast_in_dim3A_272 : i32 to vector<16xi32>
        %gather3A_274 = tpu.vector_load_idx %arg9[%add3A_44, %broadcast_in_dim3A_273] : memref<256x50xf32, #tpu.memory_space<vmem>>[vector<16xi32>, vector<16xi32>], vector<16xf32>,
        %gather3A_275 = tpu.vector_load_idx %arg10[%add3A_44, %broadcast_in_dim3A_273] : memref<256x50xf32, #tpu.memory_space<vmem>>[vector<16xi32>, vector<16xi32>], vector<16xf32>,
        %mul3A_276 = arith.mulf %gather3A_274, %gather3A_275 : vector<16xf32>
        %add3A_277 = arith.addf %add3A_271, %mul3A_276 : vector<16xf32>
        %broadcast_in_dim3A_278 = arith.constant 39 : i32
        %broadcast_in_dim3A_279 = vector.broadcast %broadcast_in_dim3A_278 : i32 to vector<16xi32>
        %gather3A_280 = tpu.vector_load_idx %arg9[%add3A_44, %broadcast_in_dim3A_279] : memref<256x50xf32, #tpu.memory_space<vmem>>[vector<16xi32>, vector<16xi32>], vector<16xf32>,
        %gather3A_281 = tpu.vector_load_idx %arg10[%add3A_44, %broadcast_in_dim3A_279] : memref<256x50xf32, #tpu.memory_space<vmem>>[vector<16xi32>, vector<16xi32>], vector<16xf32>,
        %mul3A_282 = arith.mulf %gather3A_280, %gather3A_281 : vector<16xf32>
        %add3A_283 = arith.addf %add3A_277, %mul3A_282 : vector<16xf32>
        %broadcast_in_dim3A_284 = arith.constant 40 : i32
        %broadcast_in_dim3A_285 = vector.broadcast %broadcast_in_dim3A_284 : i32 to vector<16xi32>
        %gather3A_286 = tpu.vector_load_idx %arg9[%add3A_44, %broadcast_in_dim3A_285] : memref<256x50xf32, #tpu.memory_space<vmem>>[vector<16xi32>, vector<16xi32>], vector<16xf32>,
        %gather3A_287 = tpu.vector_load_idx %arg10[%add3A_44, %broadcast_in_dim3A_285] : memref<256x50xf32, #tpu.memory_space<vmem>>[vector<16xi32>, vector<16xi32>], vector<16xf32>,
        %mul3A_288 = arith.mulf %gather3A_286, %gather3A_287 : vector<16xf32>
        %add3A_289 = arith.addf %add3A_283, %mul3A_288 : vector<16xf32>
        %broadcast_in_dim3A_290 = arith.constant 41 : i32
        %broadcast_in_dim3A_291 = vector.broadcast %broadcast_in_dim3A_290 : i32 to vector<16xi32>
        %gather3A_292 = tpu.vector_load_idx %arg9[%add3A_44, %broadcast_in_dim3A_291] : memref<256x50xf32, #tpu.memory_space<vmem>>[vector<16xi32>, vector<16xi32>], vector<16xf32>,
        %gather3A_293 = tpu.vector_load_idx %arg10[%add3A_44, %broadcast_in_dim3A_291] : memref<256x50xf32, #tpu.memory_space<vmem>>[vector<16xi32>, vector<16xi32>], vector<16xf32>,
        %mul3A_294 = arith.mulf %gather3A_292, %gather3A_293 : vector<16xf32>
        %add3A_295 = arith.addf %add3A_289, %mul3A_294 : vector<16xf32>
        %broadcast_in_dim3A_296 = arith.constant 42 : i32
        %broadcast_in_dim3A_297 = vector.broadcast %broadcast_in_dim3A_296 : i32 to vector<16xi32>
        %gather3A_298 = tpu.vector_load_idx %arg9[%add3A_44, %broadcast_in_dim3A_297] : memref<256x50xf32, #tpu.memory_space<vmem>>[vector<16xi32>, vector<16xi32>], vector<16xf32>,
        %gather3A_299 = tpu.vector_load_idx %arg10[%add3A_44, %broadcast_in_dim3A_297] : memref<256x50xf32, #tpu.memory_space<vmem>>[vector<16xi32>, vector<16xi32>], vector<16xf32>,
        %mul3A_300 = arith.mulf %gather3A_298, %gather3A_299 : vector<16xf32>
        %add3A_301 = arith.addf %add3A_295, %mul3A_300 : vector<16xf32>
        %broadcast_in_dim3A_302 = arith.constant 43 : i32
        %broadcast_in_dim3A_303 = vector.broadcast %broadcast_in_dim3A_302 : i32 to vector<16xi32>
        %gather3A_304 = tpu.vector_load_idx %arg9[%add3A_44, %broadcast_in_dim3A_303] : memref<256x50xf32, #tpu.memory_space<vmem>>[vector<16xi32>, vector<16xi32>], vector<16xf32>,
        %gather3A_305 = tpu.vector_load_idx %arg10[%add3A_44, %broadcast_in_dim3A_303] : memref<256x50xf32, #tpu.memory_space<vmem>>[vector<16xi32>, vector<16xi32>], vector<16xf32>,
        %mul3A_306 = arith.mulf %gather3A_304, %gather3A_305 : vector<16xf32>
        %add3A_307 = arith.addf %add3A_301, %mul3A_306 : vector<16xf32>
        %broadcast_in_dim3A_308 = arith.constant 44 : i32
        %broadcast_in_dim3A_309 = vector.broadcast %broadcast_in_dim3A_308 : i32 to vector<16xi32>
        %gather3A_310 = tpu.vector_load_idx %arg9[%add3A_44, %broadcast_in_dim3A_309] : memref<256x50xf32, #tpu.memory_space<vmem>>[vector<16xi32>, vector<16xi32>], vector<16xf32>,
        %gather3A_311 = tpu.vector_load_idx %arg10[%add3A_44, %broadcast_in_dim3A_309] : memref<256x50xf32, #tpu.memory_space<vmem>>[vector<16xi32>, vector<16xi32>], vector<16xf32>,
        %mul3A_312 = arith.mulf %gather3A_310, %gather3A_311 : vector<16xf32>
        %add3A_313 = arith.addf %add3A_307, %mul3A_312 : vector<16xf32>
        %broadcast_in_dim3A_314 = arith.constant 45 : i32
        %broadcast_in_dim3A_315 = vector.broadcast %broadcast_in_dim3A_314 : i32 to vector<16xi32>
        %gather3A_316 = tpu.vector_load_idx %arg9[%add3A_44, %broadcast_in_dim3A_315] : memref<256x50xf32, #tpu.memory_space<vmem>>[vector<16xi32>, vector<16xi32>], vector<16xf32>,
        %gather3A_317 = tpu.vector_load_idx %arg10[%add3A_44, %broadcast_in_dim3A_315] : memref<256x50xf32, #tpu.memory_space<vmem>>[vector<16xi32>, vector<16xi32>], vector<16xf32>,
        %mul3A_318 = arith.mulf %gather3A_316, %gather3A_317 : vector<16xf32>
        %add3A_319 = arith.addf %add3A_313, %mul3A_318 : vector<16xf32>
        %broadcast_in_dim3A_320 = arith.constant 46 : i32
        %broadcast_in_dim3A_321 = vector.broadcast %broadcast_in_dim3A_320 : i32 to vector<16xi32>
        %gather3A_322 = tpu.vector_load_idx %arg9[%add3A_44, %broadcast_in_dim3A_321] : memref<256x50xf32, #tpu.memory_space<vmem>>[vector<16xi32>, vector<16xi32>], vector<16xf32>,
        %gather3A_323 = tpu.vector_load_idx %arg10[%add3A_44, %broadcast_in_dim3A_321] : memref<256x50xf32, #tpu.memory_space<vmem>>[vector<16xi32>, vector<16xi32>], vector<16xf32>,
        %mul3A_324 = arith.mulf %gather3A_322, %gather3A_323 : vector<16xf32>
        %add3A_325 = arith.addf %add3A_319, %mul3A_324 : vector<16xf32>
        %broadcast_in_dim3A_326 = arith.constant 47 : i32
        %broadcast_in_dim3A_327 = vector.broadcast %broadcast_in_dim3A_326 : i32 to vector<16xi32>
        %gather3A_328 = tpu.vector_load_idx %arg9[%add3A_44, %broadcast_in_dim3A_327] : memref<256x50xf32, #tpu.memory_space<vmem>>[vector<16xi32>, vector<16xi32>], vector<16xf32>,
        %gather3A_329 = tpu.vector_load_idx %arg10[%add3A_44, %broadcast_in_dim3A_327] : memref<256x50xf32, #tpu.memory_space<vmem>>[vector<16xi32>, vector<16xi32>], vector<16xf32>,
        %mul3A_330 = arith.mulf %gather3A_328, %gather3A_329 : vector<16xf32>
        %add3A_331 = arith.addf %add3A_325, %mul3A_330 : vector<16xf32>
        %broadcast_in_dim3A_332 = arith.constant 48 : i32
        %broadcast_in_dim3A_333 = vector.broadcast %broadcast_in_dim3A_332 : i32 to vector<16xi32>
        %gather3A_334 = tpu.vector_load_idx %arg9[%add3A_44, %broadcast_in_dim3A_333] : memref<256x50xf32, #tpu.memory_space<vmem>>[vector<16xi32>, vector<16xi32>], vector<16xf32>,
        %gather3A_335 = tpu.vector_load_idx %arg10[%add3A_44, %broadcast_in_dim3A_333] : memref<256x50xf32, #tpu.memory_space<vmem>>[vector<16xi32>, vector<16xi32>], vector<16xf32>,
        %mul3A_336 = arith.mulf %gather3A_334, %gather3A_335 : vector<16xf32>
        %add3A_337 = arith.addf %add3A_331, %mul3A_336 : vector<16xf32>
        %broadcast_in_dim3A_338 = arith.constant 49 : i32
        %broadcast_in_dim3A_339 = vector.broadcast %broadcast_in_dim3A_338 : i32 to vector<16xi32>
        %gather3A_340 = tpu.vector_load_idx %arg9[%add3A_44, %broadcast_in_dim3A_339] : memref<256x50xf32, #tpu.memory_space<vmem>>[vector<16xi32>, vector<16xi32>], vector<16xf32>,
        %gather3A_341 = tpu.vector_load_idx %arg10[%add3A_44, %broadcast_in_dim3A_339] : memref<256x50xf32, #tpu.memory_space<vmem>>[vector<16xi32>, vector<16xi32>], vector<16xf32>,
        %mul3A_342 = arith.mulf %gather3A_340, %gather3A_341 : vector<16xf32>
        %add3A_343 = arith.addf %add3A_337, %mul3A_342 : vector<16xf32>
        %mul3A_344 = arith.constant 16 : i32
        %mul3A_345 = arith.muli %scan3A_39, %mul3A_344 : i32
        %add3A_346 = arith.addi %mul3A_12, %mul3A_345 : i32
        %swap3A = arith.index_cast %add3A_346 : i32 to index
        %swap3A_347 = tpu.vector_load %arg11[%swap3A] {strides = array<i32>} : memref<512xf32, #tpu.memory_space<vmem>>, vector<16xf32>,
        tpu.vector_store %arg11[%swap3A], %add3A_343 {strides = array<i32>} : memref<512xf32, #tpu.memory_space<vmem>>, vector<16xf32>,
        %scan3A_348 = arith.constant 0 : i32
        scf.yield %scan3A_348 : i32
      }
      %scan3A_37 = arith.constant 16 : i32
      %scan3A_38 = arith.constant 0 : i32
      scf.yield %scan3A_38 : i32
    }
    %scan3A_8 = arith.constant 2 : i32
    "tpu.region"() ({
      %run_scoped3A = tpu.sem_alloc : memref<!tpu.dma_semaphore, #tpu.memory_space<semaphore_mem>>
      %dma_start3A = tpu.memref_slice %arg6[%mul3A_2] : memref<16384xf32, #tpu.memory_space<hbm>> -> memref<512xf32, #tpu.memory_space<hbm>>
      %dma_start3A_9 = tpu.memref_slice %arg6[%mul3A_2] : memref<16384xf32, #tpu.memory_space<hbm>> -> memref<512xf32, #tpu.memory_space<hbm>>
      tpu.enqueue_dma source(%arg11 : memref<512xf32, #tpu.memory_space<vmem>>) target(%dma_start3A_9 : memref<512xf32, #tpu.memory_space<hbm>>) target_semaphore(%run_scoped3A : memref<!tpu.dma_semaphore, #tpu.memory_space<semaphore_mem>>)
      %dma_wait3A = tpu.memref_slice %arg6[%mul3A_2] : memref<16384xf32, #tpu.memory_space<hbm>> -> memref<512xf32, #tpu.memory_space<hbm>>
      %dma_wait3A_10 = tpu.memref_slice %arg6[%mul3A_2] : memref<16384xf32, #tpu.memory_space<hbm>> -> memref<512xf32, #tpu.memory_space<hbm>>
      tpu.wait_dma2 semaphore(%run_scoped3A : memref<!tpu.dma_semaphore, #tpu.memory_space<semaphore_mem>>) src(%arg11 : memref<512xf32, #tpu.memory_space<vmem>>) dst(%dma_wait3A_10 : memref<512xf32, #tpu.memory_space<hbm>>)
      tpu.yield
    }) : () -> ()
    return
  }
}

</mosaic_0001>

<sc_bundles>
// kernel: _embedding_dot.3.cloned.1.call-start
scs
__scs_entry_jumppad:
0x0: {  	(pc) =	sbr.rel $0x88, $3  }
0x1: {  	(tag) =	ssettag $0x0;
	lr =	simm.s32 $0x1  }
0x2: {  	[smem:$0x3F9E] =	sst lr;
	_ =	strace $0xD0000000  }
0x3: {  	_ = 	snop  }
0x4: {  	_ = 	snop  }
0x5: {  	_ = 	snop  }
0x6: {  	_ = 	snop  }
0x7: {  	_ = 	snop  }
__scs_overlays_trampoline_lowered:
0x8: {  	[smem:$0x3FAD] =	sst s0  }
0x9: {  	[smem:$0x3FAE] =	sst s1  }
0xa: {  	[smem:$0x3FAF] =	sst s2  }
0xb: {  	[smem:$0x3FB0] =	sst s3  }
0xc: {  	[smem:$0x3FB1] =	sst s4  }
0xd: {  	[smem:$0x3FB2] =	sst s5  }
0xe: {  	[smem:$0x3FB3] =	sst s6  }
0xf: {  	[smem:$0x3FB4] =	sst s7  }
0x10: {  	[smem:$0x3FB5] =	sst s8  }
0x11: {  	[smem:$0x3FB6] =	sst s9;
	s0 =	simm.s32 @!p0 $0x0  }
0x12: {  	s1 =	sld [smem:$0x3F9C];
	s0 =	simm.s32 @p0 $0x1  }
0x13: {  	[smem:$0x3FB7] =	sst s0;
	s0 =	simm.s32 @!p1 $0x0  }
0x14: {  	s2 =	sld [smem:$0x3F9B];
	s0 =	simm.s32 @p1 $0x1  }
0x15: {  	[smem:$0x3FB8] =	sst s0;
	s0 =	simm.s32 @!p2 $0x0  }
0x16: {  	s3 =	sld [smem:$0x3FDB];
	s0 =	simm.s32 @p2 $0x1  }
0x17: {  	s4 =	simm.s32 $0x1BF5;
	[smem:$0x3FBA] =	sst s0  }
0x18: {  	s0 =	sld [smem:$0x3F9D];
	_ =	swait.ge [sflag:s4], $0x0  }
0x19: {  	s7 =	sld [smem:$0x3F9E]  }
0x1a: {  	s8 =	sadd.s32 $0xFFFFE003, lr  }
0x1b: {  	s9 =	sadd.s32 $0xFFFFFEF7, lr;
	s5 =	simm.s32 $0xFFFFFFFF;
	p2 =	slt.u32 s8, $0xFFFFF086  }
0x1c: {  	p1 =	slt.u32 s9, $0xF7A;
	s5 =	simm.s32 @!p2 $0x0  }
0x1d: {  	s5 =	simm.s32 @p1 $0x1;
	p0 =	seq.s32 s7, s2  }
0x1e: {  	s7 =	smul.u32 @!p0 $0xF7A, s2;
	p2 =	seq.s32 @!p0 s5, $0x0  }
0x1f: {  	s9 =	smul.u32 $0xF7A, s1;
	s8 =	simm.s32 @!p0 $0x1BF5;
	p2 =	por !p2, p0  }
0x20: {  	[sflag:s8] =	ssyncset.s32 @!p0 $0xFFFFF086;
	s6 =	sadd.s32 @!p0 s3, s7;
	s7 =	simm.s32 @!p0 $0x108  }
0x21: {  	s3 =	sadd.s32 s3, s9;
	s6 =	sadd.s32 @!p0 $0x88, s6;
	s7 =	simm.s32 @p2 $0x1082  }
0x22: {  	[simem:s7], [sflag:s8] =	dma.local @!p0 [hbm:s6], $0xF7A  }
0x23: {  	s9 =	sor.u32 $0xD0000000, s2;
	s6 =	simm.s32 $0x108;
	_ =	swait.ge @!p0 [sflag:s8], $0x0  }
0x24: {  	s3 =	sadd.s32 $0x88, s3;
	s6 =	simm.s32 @!p1 $0x1082;
	[sflag:s4] =	ssyncset.s32 $0xFFFFF086  }
0x25: {  	[simem:s6], [sflag:s4] =	dma.local [hbm:s3], $0xF7A  }
0x26: {  	[smem:$0x3F9E] =	sst s1;
	(tag) =	ssettag s2;
	_ =	strace s9  }
0x27: {  	s1 =	sld [smem:$0x3FAE]  }
0x28: {  	s2 =	sld [smem:$0x3FAF]  }
0x29: {  	s4 =	sld [smem:$0x3FB1]  }
0x2a: {  	p0 =	seq.s32 s5, $0x0;
	s5 =	sld [smem:$0x3FB2]  }
0x2b: {  	s6 =	sld [smem:$0x3FB3]  }
0x2c: {  	s7 =	sld [smem:$0x3FB4]  }
0x2d: {  	s3 =	simm.s32 $0x108;
	s8 =	sld [smem:$0x3FB5]  }
0x2e: {  	s3 =	simm.s32 @!p0 $0x1082;
	s9 =	sld [smem:$0x3FB6]  }
0x2f: {  	lr =	sadd.s32 s0, s3;
	s0 =	sld [smem:$0x3FAD]  }
0x30: {  	s3 =	sld [smem:$0x3FB0]  }
0x31: {  	[smem:$0x3FB9] =	sst s10  }
0x32: {  	s10 =	sld [smem:$0x3FB7];
	_ =	sdelay $0x3  }
0x33: {  	p0 =	seq.s32 s10, $0x1;
	s10 =	sld [smem:$0x3FB9];
	_ =	sdelay $0x3  }
0x34: {  	[smem:$0x3FB9] =	sst s10  }
0x35: {  	s10 =	sld [smem:$0x3FB8];
	_ =	sdelay $0x3  }
0x36: {  	p1 =	seq.s32 s10, $0x1;
	s10 =	sld [smem:$0x3FB9];
	_ =	sdelay $0x3  }
0x37: {  	[smem:$0x3FB9] =	sst s10  }
0x38: {  	s10 =	sld [smem:$0x3FBA]  }
0x39: {  	_ = 	snop;
	(pc) =	sbr.ind lr, $3  }
0x3a: {  	_ = 	snop  }
0x3b: {  	_ = 	snop  }
0x3c: {  	p2 =	seq.s32 s10, $0x1;
	s10 =	sld [smem:$0x3FB9]  }
0x3d: {  	_ =	shalt  }
0x3e: {  	_ =	shalt  }
0x3f: {  	_ =	shalt  }
0x40: {  	_ =	shalt  }
0x41: {  	_ =	shalt  }
0x42: {  	_ =	shalt  }
0x43: {  	_ =	shalt  }
0x44: {  	_ =	shalt  }
0x45: {  	_ =	shalt  }
0x46: {  	_ =	shalt  }
0x47: {  	_ =	shalt  }
0x48: {  	_ =	shalt  }
0x49: {  	_ =	shalt  }
0x4a: {  	_ =	shalt  }
0x4b: {  	_ =	shalt  }
0x4c: {  	_ =	shalt  }
0x4d: {  	_ =	shalt  }
0x4e: {  	_ =	shalt  }
0x4f: {  	_ =	shalt  }
0x50: {  	_ =	shalt  }
0x51: {  	_ =	shalt  }
0x52: {  	_ =	shalt  }
0x53: {  	_ =	shalt  }
0x54: {  	_ =	shalt  }
0x55: {  	_ =	shalt  }
0x56: {  	_ =	shalt  }
0x57: {  	_ =	shalt  }
0x58: {  	_ =	shalt  }
0x59: {  	_ =	shalt  }
0x5a: {  	_ =	shalt  }
0x5b: {  	_ =	shalt  }
0x5c: {  	_ =	shalt  }
0x5d: {  	_ =	shalt  }
0x5e: {  	_ =	shalt  }
0x5f: {  	_ =	shalt  }
0x60: {  	_ =	shalt  }
0x61: {  	_ =	shalt  }
0x62: {  	_ =	shalt  }
0x63: {  	_ =	shalt  }
0x64: {  	_ =	shalt  }
0x65: {  	_ =	shalt  }
0x66: {  	_ =	shalt  }
0x67: {  	_ =	shalt  }
0x68: {  	_ =	shalt  }
0x69: {  	_ =	shalt  }
0x6a: {  	_ =	shalt  }
0x6b: {  	_ =	shalt  }
0x6c: {  	_ =	shalt  }
0x6d: {  	_ =	shalt  }
0x6e: {  	_ =	shalt  }
0x6f: {  	_ =	shalt  }
0x70: {  	_ =	shalt  }
0x71: {  	_ =	shalt  }
0x72: {  	_ =	shalt  }
0x73: {  	_ =	shalt  }
0x74: {  	_ =	shalt  }
0x75: {  	_ =	shalt  }
0x76: {  	_ =	shalt  }
0x77: {  	_ =	shalt  }
0x78: {  	_ =	shalt  }
0x79: {  	_ =	shalt  }
0x7a: {  	_ =	shalt  }
0x7b: {  	_ =	shalt  }
0x7c: {  	_ =	shalt  }
0x7d: {  	_ =	shalt  }
0x7e: {  	_ =	shalt  }
0x7f: {  	_ =	shalt  }
0x80: {  	_ =	shalt  }
0x81: {  	_ =	shalt  }
0x82: {  	_ =	shalt  }
0x83: {  	_ =	shalt  }
0x84: {  	_ =	shalt  }
0x85: {  	_ =	shalt  }
0x86: {  	_ =	shalt  }
0x87: {  	_ =	shalt  }
.Lfunc_end0:
.L_simem_size_0:
called_computation_lowered:
.L_overlay_start_0:
0x88: {  	s2 =	sld [smem:$0x3FD9]  }
0x89: {  	s3 =	sld [smem:$0x3FFE];
	_ =	sdelay $0x1  }
0x8a: {  	s1 =	srdreg.scid  }
0x8b: {  	s0 =	sand.u32 $0x1, s1  }
0x8c: {  	s17 =	sshll.u32 s0, $0xA;
	s2 =	sadd.s32 s3, s2  }
0x8d: {  	s2 =	sadd.s32 s2, s17  }
0x8e: {  	[smem:$0x3FC5] =	sst s2  }
0x8f: {  	_ = 	snop  }
0x90: {  	s2 =	sld [smem:$0x3FD0];
	(tm) =	ssettm $0x1  }
0x91: {  	s18 =	sld [smem:$0x3FFB];
	_ =	sdelay $0x3  }
0x92: {  	_ =	strace s18  }
0x93: {  	s3 =	sld [smem:$0x3FFC];
	_ =	sdelay $0x3  }
0x94: {  	_ =	strace s3  }
0x95: {  	s3 =	sld [smem:$0x3FFD];
	_ =	sdelay $0x3  }
0x96: {  	_ =	strace s3  }
0x97: {  	_ =	strace $0x8FFFFFFF  }
0x98: {  	s19 =	sld [smem:$0x3FDB];
	_ =	sdelay $0x1  }
0x99: {  	s4 =	simm.s32 $_scs_section_size  }
0x9a: {  	s5 =	simm.s32 $_size__tile_overlayer_lowered;
	s6 =	simm.s32 $_tile_overlayer_lowered  }
0x9b: {  	s22 =	simm.s32 $0x1BFF;
	s21 =	sshll.u32 s6, $0x1;
	s3 =	sadd.s32 s4, s19  }
0x9c: {  	s7 =	simm.s32 $0x0;
	s20 =	sshll.u32 s5, $0x1;
	s5 =	sadd.s32 s21, s3  }
0x9d: {  	[timem:s7], [sflag:s22] =	dma.local [hbm:s5], s20  }
0x9e: {  	_ =	swait.ge [sflag:s22], s20  }
0x9f: {  	s4 =	ssub.s32 $0x0, s20;
	[sflag:s22] =	ssyncset.done $0x0  }
0xa0: {  	[sflag:s22] =	ssyncadd.s32 s4;
	_ =	sdelay $0x1  }
0xa1: {  	s23 =	simm.s32 $0x1B8B  }
0xa2: {  	_ =	swait.ge [sflag:s23], $0x1  }
0xa3: {  	[sflag:s23] =	ssyncset.done $0x0  }
0xa4: {  	s25 =	simm.s32 $0x1B8E;
	s24 =	sld [smem:$0x3FFE];
	[sflag:s23] =	ssyncadd.s32 $0xFFFFFFFF  }
0xa5: {  	s26 =	simm.s32 $execute0_lowered;
	[smem:$0x3FD2] =	sst s25  }
0xa6: {  	s5 =	sshll.u32 s26, $0x1;
	_ =	strace $0x80000046;
	[dreg:$0x1] =	wrdreg $0xFFFFFFFF  }
0xa7: {  	s28 =	simm.s32 $_size_execute0_lowered;
	s3 =	sadd.s32 s3, s5;
	[dreg:$0x0] =	wrdreg $0x0  }
0xa8: {  	s5 =	sshll.u32 s28, $0x1;
	[dreg:$0x2] =	wrdreg s3  }
0xa9: {  	[dreg:$0x3] =	wrdreg s5  }
0xaa: {  	[dreg:$0x4] =	wrdreg $0xC0  }
0xab: {  	_ =	task [dreg:s7], $0x5FFFF  }
0xac: {  	[dreg:$0x1] =	wrdreg $0xFFFFFFFF  }
0xad: {  	[dreg:$0x0] =	wrdreg $0x60  }
0xae: {  	[dreg:$0x2] =	wrdreg s24  }
0xaf: {  	[dreg:$0x3] =	wrdreg s2  }
0xb0: {  	[dreg:$0x4] =	wrdreg $0x9  }
0xb1: {  	_ =	task.clear_ibuf [dreg:s7], $0x5FFFF;
	_ =	strace $0x90000046  }
0xb2: {  	s29 =	simm.s32 $0x9;
	_ =	strace $0x80000048  }
0xb3: {  	_ =	swait.ge [sflag:s29], $0x1  }
0xb4: {  	[sflag:s29] =	ssyncadd.s32 $0xFFFFFFFF  }
0xb5: {  	_ =	strace $0x90000048  }
0xb6: {  	_ =	sfence  }
0xb7: {  	s30 =	sld [smem:$0x0];
	_ =	sdelay $0x2  }
0xb8: {  	s31 =	sshll.u32 s1, $0xD;
	s1 =	sshrl.u32 s1, $0x2  }
0xb9: {  	s3 =	sand.u32 $0x4000, s31;
	s1 =	sadd.s32 s1, s30  }
0xba: {  	s0 =	sor.u32 s3, s0;
	s1 =	sshll.u32 s1, $0x11  }
0xbb: {  	s0 =	sor.u32 s1, s0  }
0xbc: {  	s0 =	sadd.s32 $0x8F2B, s0  }
0xbd: {  	[sflag:s0] =	ssyncadd.remote.s32 $0x1  }
0xbe: {  	_ =	sfence.sel $0xFFFF  }
0xbf: {  	[dreg:$0x0] =	wrdreg $0xFFFFFFFF;
	(pc) =	sbr.abs _section_cstart, $3  }
0xc0: {  	[dreg:$0x1] =	wrdreg $0xFFFFFFFF  }
0xc1: {  	_ =	task.clear_ibuf [dreg:s7], $0x2FFFF;
	_ =	strace $0x9FFFFFFF  }
0xc2: {  	(tm) =	ssettm $0x7FFFFFFF  }
0xc3: {  	_ =	shalt  }
tec
execute0_lowered:
.L_overlay_start_1:
0x0: {  	(tag) =	ssettag $0x1  }
0x1: {  	s0 =	rddreg [dreg:$0x0]  }
0x2: {  	s2 =	rddreg [dreg:$0x1]  }
0x3: {  	s1 =	srdreg.scid;
	s4 =	stileid.u32;
	s15 =	simm.s32 $0x0  }
0x4: {  	s12 =	simm.s32 $0x400;
	s3 =	sand.u32 $0x1, s1;
	[smem:$0x7FF] =	sst s15  }
0x5: {  	s4 =	sshll.u32 s4, $0x7;
	s5 =	sshll.u32 s3, $0x6;
	_ =	strace $0x80000047  }
0x6: {  	s7 =	ssub.s32 $0x2, s3;
	s3 =	sadd.s32 $0x1600, s0;
	s5 =	sor.u32 s5, s4  }
0x7: {  	s4 =	sadd.s32 $0xF43A00, s0;
	s6 =	sadd.s32 s5, s0;
	s31 =	sadd.s32 s2, s5  }
0x8: {  	s28 =	sshrl.u32 s7, $0x1;
	s29 =	sadd.s32 $0xE00, s6;
	[dreg:$0x10] =	wrdreg s31  }
0x9: {  	s0 =	ssub.s32 s7, s28;
	s30 =	sadd.s32 $0x600, s6;
	[dreg:$0xe] =	wrdreg s29  }
0xa: {  	v0 =	vlaneseq.u32;
	s13 =	simm.s32 $0x8400;
	s0 =	smax.u32 s0, $0x1;
	[dreg:$0xf] =	wrdreg s30  }
0xb: {  	s1 =	simm.s32 $0x2;
	v0 =	vmul.u32 $0x80, v0;
	s2 =	simm.s32 $0x0;
	[dreg:$0x11] =	wrdreg s0  }
.LBB2_1:
0xc: {  	[dreg:$0x12] =	wrdreg s2  }
0xd: {  	s0 =	rddreg [dreg:$0xe]  }
0xe: {  	[tilespmem:s15], [sflag:$0x2] =	stream.linear.gather [hbm4b:s0+s15], $0x200, $0x38;
	[tilespmem:$0x10600] =	vst v63  }
0xf: {  	_ =	swait.ge [sflag:s1], $0x200  }
0x10: {  	[sflag:s1] =	ssyncset.done $0x0  }
0x11: {  	s31 =	simm.s32 $0x200;
	s30 =	rddreg [dreg:$0xf];
	[sflag:s1] =	ssyncadd.s32 $0xFFFFFE00  }
0x12: {  	[tilespmem:s31], [sflag:$0x2] =	stream.linear.gather [hbm4b:s30+s15], $0x200, $0x38;
	[tilespmem:$0x10600] =	vst v63  }
0x13: {  	_ =	swait.ge [sflag:s1], $0x200  }
0x14: {  	[sflag:s1] =	ssyncset.done $0x0  }
0x15: {  	p1 =	por $0x1, $0x1;
	s0 =	simm.s32 $0x0;
	[sflag:s1] =	ssyncadd.s32 $0xFFFFFE00  }
.LBB2_2:
0x16: {  	s10 =	sshll.u32 s0, $0x2  }
0x17: {  	s7 =	sshra.s32 s10, $0x2  }
0x18: {  	v1 =	vld [tilespmem:s7+$0x0]  }
0x19: {  	[dreg:$0x13] =	wrdreg s0;
	s0 =	sadd.s32 $0x200, s7  }
0x1a: {  	v3 =	vld [tilespmem:s0+$0x0];
	_ =	sdelay $0x2  }
0x1b: {  	v2 =	vshll.u32 v1, $0x4  }
0x1c: {  	(v2sf) =	vpush v2, $0x0  }
0x1d: {  	v1 =	vshll.u32 v3, $0x4  }
0x1e: {  	(v2sf) =	vpush v1, $0x0;
	_ =	sdelay $0x1  }
0x1f: {  	(v2sf) =	vpush v2, $0x1  }
0x20: {  	(v2sf) =	vpush v1, $0x1  }
0x21: {  	(v2sf) =	vpush v2, $0x2;
	_ =	sdelay $0x1  }
0x22: {  	(v2sf) =	vpush v1, $0x2;
	_ =	sdelay $0x1  }
0x23: {  	(v2sf) =	vpush v2, $0x3;
	_ =	sdelay $0x1  }
0x24: {  	s18 =	simm.s32 $0x2000;
	s17 =	simm.s32 $0x0;
	(v2sf) =	vpush v1, $0x3  }
0x25: {  	s8 =	simm.s32 $0x8400;
	s2 =	simm.s32 $0x680;
	s6 =	simm.s32 $0x880  }
0x26: {  	s5 =	simm.s32 $0x400;
	s19 =	simm.s32 $0x480;
	s21 =	simm.s32 $0x8480  }
0x27: {  	s24 =	simm.s32 $0x500;
	s28 =	simm.s32 $0x8500;
	s9 =	spop (v2sf)  }
0x28: {  	s30 =	simm.s32 $0x580;
	p0 =	por p1, p1;
	(v2sf) =	vpush v2, $0x4;
	s9 =	sand.u32 $0x1FFFFFF0, s9  }
0x29: {  	s10 =	simm.s32 $0x600;
	s11 =	spop (v2sf);
	s9 =	sadd.s32 s3, s9  }
0x2a: {  	[tilespmem:s5], [sflag:$0x1] =	stream.linear.gather [hbm4b:s9+s15], $0x80, $0x38;
	[tilespmem:$0x10600] =	vst v63  }
0x2b: {  	s11 =	sand.u32 $0x1FFFFFF0, s11;
	s14 =	spop (v2sf);
	s5 =	simm.s32 $0x8900  }
0x2c: {  	(v2sf) =	vpush v1, $0x4;
	s11 =	sadd.s32 s4, s11;
	s16 =	sand.u32 $0x1FFFFFF0, s14;
	s20 =	spop (v2sf)  }
0x2d: {  	(v2sf) =	vpush v2, $0x5;
	s14 =	simm.s32 $0x8A00;
	s9 =	sand.u32 $0x1FFFFFF0, s20;
	s22 =	spop (v2sf)  }
0x2e: {  	[tilespmem:s8], [sflag:$0x1] =	stream.linear.gather [hbm4b:s11+s15], $0x80, $0x38;
	[tilespmem:$0x10600] =	vst v63  }
0x2f: {  	(v2sf) =	vpush v1, $0x5;
	s11 =	sadd.s32 s3, s16;
	s9 =	sadd.s32 s4, s9;
	s23 =	spop (v2sf)  }
0x30: {  	[tilespmem:s19], [sflag:$0x1] =	stream.linear.gather [hbm4b:s11+s15], $0x80, $0x38;
	[tilespmem:$0x10600] =	vst v63  }
0x31: {  	s26 =	sand.u32 $0x1FFFFFF0, s23;
	s29 =	spop (v2sf);
	s11 =	sand.u32 $0x1FFFFFF0, s22  }
0x32: {  	(v2sf) =	vpush v2, $0x6;
	[tilespmem:s21], [sflag:$0x1] =	stream.linear.gather [hbm4b:s9+s15], $0x80, $0x38;
	[tilespmem:$0x10600] =	vst v63  }
0x33: {  	(v2sf) =	vpush v1, $0x6;
	s31 =	spop (v2sf);
	s25 =	sadd.s32 s3, s11;
	s9 =	sand.u32 $0x1FFFFFF0, s29  }
0x34: {  	[tilespmem:s24], [sflag:$0x1] =	stream.linear.gather [hbm4b:s25+s15], $0x80, $0x38;
	[tilespmem:$0x10600] =	vst v63  }
0x35: {  	(v2sf) =	vpush v2, $0x7;
	s22 =	simm.s32 $0x8600;
	s11 =	sadd.s32 s4, s26;
	s9 =	sadd.s32 s3, s9  }
0x36: {  	[tilespmem:s28], [sflag:$0x1] =	stream.linear.gather [hbm4b:s11+s15], $0x80, $0x38;
	[tilespmem:$0x10600] =	vst v63  }
0x37: {  	s11 =	sand.u32 $0x1FFFFFF0, s31;
	s28 =	simm.s32 $0x8680;
	s1 =	spop (v2sf)  }
0x38: {  	[tilespmem:s30], [sflag:$0x1] =	stream.linear.gather [hbm4b:s9+s15], $0x80, $0x38;
	[tilespmem:$0x10600] =	vst v63  }
0x39: {  	s16 =	sadd.s32 s4, s11;
	s9 =	simm.s32 $0x8580;
	s19 =	sand.u32 $0x1FFFFFF0, s1  }
0x3a: {  	[tilespmem:s9], [sflag:$0x1] =	stream.linear.gather [hbm4b:s16+s15], $0x80, $0x38;
	[tilespmem:$0x10600] =	vst v63  }
0x3b: {  	(v2sf) =	vpush v1, $0x7;
	s30 =	simm.s32 $0x700;
	s20 =	spop (v2sf);
	s21 =	sadd.s32 s3, s19  }
0x3c: {  	s16 =	simm.s32 $0xA80;
	s8 =	sand.u32 $0x1FFFFFF0, s20;
	s23 =	spop (v2sf)  }
0x3d: {  	(v2sf) =	vpush v2, $0x8;
	[tilespmem:s10], [sflag:$0x1] =	stream.linear.gather [hbm4b:s21+s15], $0x80, $0x38;
	[tilespmem:$0x10600] =	vst v63  }
0x3e: {  	(v2sf) =	vpush v1, $0x8;
	s20 =	simm.s32 $0x780;
	s10 =	sand.u32 $0x1FFFFFF0, s23;
	s24 =	spop (v2sf)  }
0x3f: {  	s8 =	sadd.s32 s4, s8;
	s25 =	sadd.s32 s3, s10;
	s26 =	sand.u32 $0x1FFFFFF0, s24  }
0x40: {  	(v2sf) =	vpush v2, $0x9;
	[tilespmem:s22], [sflag:$0x1] =	stream.linear.gather [hbm4b:s8+s15], $0x80, $0x38;
	[tilespmem:$0x10600] =	vst v63  }
0x41: {  	s29 =	spop (v2sf);
	s10 =	simm.s32 $0x8A80;
	s9 =	sadd.s32 s4, s26  }
0x42: {  	(v2sf) =	vpush v1, $0x9;
	s8 =	sand.u32 $0x1FFFFFF0, s29;
	s31 =	spop (v2sf);
	s22 =	simm.s32 $0x8780  }
0x43: {  	[tilespmem:s2], [sflag:$0x1] =	stream.linear.gather [hbm4b:s25+s15], $0x80, $0x38;
	[tilespmem:$0x10600] =	vst v63  }
0x44: {  	(v2sf) =	vpush v2, $0xA;
	s29 =	simm.s32 $0x8800;
	s8 =	sadd.s32 s3, s8;
	s1 =	spop (v2sf)  }
0x45: {  	[tilespmem:s28], [sflag:$0x1] =	stream.linear.gather [hbm4b:s9+s15], $0x80, $0x38;
	[tilespmem:$0x10600] =	vst v63  }
0x46: {  	(v2sf) =	vpush v1, $0xA;
	s19 =	sand.u32 $0x1FFFFFF0, s1;
	s25 =	simm.s32 $0x800;
	s9 =	sand.u32 $0x1FFFFFF0, s31  }
0x47: {  	[tilespmem:s30], [sflag:$0x1] =	stream.linear.gather [hbm4b:s8+s15], $0x80, $0x38;
	[tilespmem:$0x10600] =	vst v63  }
0x48: {  	s2 =	simm.s32 $0x8980;
	s11 =	sadd.s32 s4, s9;
	s8 =	simm.s32 $0x8700  }
0x49: {  	[tilespmem:s8], [sflag:$0x1] =	stream.linear.gather [hbm4b:s11+s15], $0x80, $0x38;
	[tilespmem:$0x10600] =	vst v63  }
0x4a: {  	s9 =	sadd.s32 s3, s19;
	s11 =	simm.s32 $0x8880;
	s21 =	spop (v2sf);
	(v2sf) =	vpush v2, $0xB  }
0x4b: {  	[tilespmem:s20], [sflag:$0x1] =	stream.linear.gather [hbm4b:s9+s15], $0x80, $0x38;
	[tilespmem:$0x10600] =	vst v63  }
0x4c: {  	(v2sf) =	vpush v1, $0xB;
	s8 =	sand.u32 $0x1FFFFFF0, s21;
	s23 =	spop (v2sf);
	s21 =	simm.s32 $0x900  }
0x4d: {  	s8 =	sadd.s32 s4, s8;
	s9 =	sand.u32 $0x1FFFFFF0, s23;
	s24 =	spop (v2sf)  }
0x4e: {  	[tilespmem:s22], [sflag:$0x1] =	stream.linear.gather [hbm4b:s8+s15], $0x80, $0x38;
	[tilespmem:$0x10600] =	vst v63  }
0x4f: {  	(v2sf) =	vpush v2, $0xC;
	s26 =	sadd.s32 s3, s9;
	s28 =	sand.u32 $0x1FFFFFF0, s24;
	s30 =	spop (v2sf)  }
0x50: {  	[tilespmem:s25], [sflag:$0x1] =	stream.linear.gather [hbm4b:s26+s15], $0x80, $0x38;
	[tilespmem:$0x10600] =	vst v63  }
0x51: {  	s9 =	sadd.s32 s4, s28;
	(v2sf) =	vpush v1, $0xC;
	s8 =	sand.u32 $0x1FFFFFF0, s30;
	s31 =	spop (v2sf)  }
0x52: {  	[tilespmem:s29], [sflag:$0x1] =	stream.linear.gather [hbm4b:s9+s15], $0x80, $0x38;
	[tilespmem:$0x10600] =	vst v63  }
0x53: {  	s8 =	sadd.s32 s3, s8;
	s1 =	spop (v2sf);
	s9 =	sand.u32 $0x1FFFFFF0, s31  }
0x54: {  	[tilespmem:s6], [sflag:$0x1] =	stream.linear.gather [hbm4b:s8+s15], $0x80, $0x38;
	[tilespmem:$0x10600] =	vst v63  }
0x55: {  	s20 =	sand.u32 $0x1FFFFFF0, s1;
	s22 =	spop (v2sf);
	s19 =	sadd.s32 s4, s9  }
0x56: {  	[tilespmem:s11], [sflag:$0x1] =	stream.linear.gather [hbm4b:s19+s15], $0x80, $0x38;
	[tilespmem:$0x10600] =	vst v63  }
0x57: {  	s26 =	simm.s32 $0x980;
	s9 =	sadd.s32 s3, s20;
	s23 =	sand.u32 $0x1FFFFFF0, s22  }
0x58: {  	[tilespmem:s21], [sflag:$0x1] =	stream.linear.gather [hbm4b:s9+s15], $0x80, $0x38;
	[tilespmem:$0x10600] =	vst v63  }
0x59: {  	s22 =	sadd.s32 $0x10, s0;
	s6 =	sadd.s32 s4, s23;
	s24 =	spop (v2sf)  }
0x5a: {  	[tilespmem:s5], [sflag:$0x1] =	stream.linear.gather [hbm4b:s6+s15], $0x80, $0x38;
	[tilespmem:$0x10600] =	vst v63  }
0x5b: {  	s21 =	sadd.s32 $0x10, s7;
	(v2sf) =	vpush v2, $0xD;
	s8 =	sand.u32 $0x1FFFFFF0, s24;
	s25 =	spop (v2sf)  }
0x5c: {  	(v2sf) =	vpush v1, $0xD;
	s24 =	simm.s32 $0x8B00;
	s28 =	sadd.s32 s3, s8;
	s29 =	sand.u32 $0x1FFFFFF0, s25  }
0x5d: {  	(v2sf) =	vpush v2, $0xE;
	[tilespmem:s26], [sflag:$0x1] =	stream.linear.gather [hbm4b:s28+s15], $0x80, $0x38;
	[tilespmem:$0x10600] =	vst v63  }
0x5e: {  	s25 =	simm.s32 $0xB00;
	s31 =	spop (v2sf);
	s30 =	sadd.s32 s4, s29;
	(v2sf) =	vpush v1, $0xE  }
0x5f: {  	(v2sf) =	vpush v2, $0xF;
	[tilespmem:s2], [sflag:$0x1] =	stream.linear.gather [hbm4b:s30+s15], $0x80, $0x38;
	[tilespmem:$0x10600] =	vst v63  }
0x60: {  	s26 =	simm.s32 $0xA00;
	s0 =	sand.u32 $0x1FFFFFF0, s31;
	(v2sf) =	vpush v1, $0xF;
	s2 =	spop (v2sf)  }
.LBB2_3:
0x61: {  	_ =	sdelay $0x4  }
0x62: {  	s0 =	sadd.s32 s3, s0;
	s2 =	sand.u32 $0x1FFFFFF0, s2  }
0x63: {  	[tilespmem:s26], [sflag:$0x1] =	stream.linear.gather [hbm4b:s0+s15], $0x80, $0x38;
	[tilespmem:$0x10600] =	vst v63  }
0x64: {  	s26 =	sadd.s32 s4, s2  }
0x65: {  	[tilespmem:s14], [sflag:$0x1] =	stream.linear.gather [hbm4b:s26+s15], $0x80, $0x38;
	[tilespmem:$0x10600] =	vst v63  }
0x66: {  	s5 =	spop (v2sf)  }
0x67: {  	s28 =	sand.u32 $0x1FFFFFF0, s5;
	s29 =	spop (v2sf)  }
0x68: {  	s30 =	sadd.s32 s3, s28;
	s31 =	sand.u32 $0x1FFFFFF0, s29;
	s1 =	spop (v2sf)  }
0x69: {  	[tilespmem:s16], [sflag:$0x1] =	stream.linear.gather [hbm4b:s30+s15], $0x80, $0x38;
	[tilespmem:$0x10600] =	vst v63  }
0x6a: {  	s2 =	sadd.s32 s4, s31;
	s5 =	sand.u32 $0x1FFFFFF0, s1;
	s6 =	spop (v2sf)  }
0x6b: {  	[tilespmem:s10], [sflag:$0x1] =	stream.linear.gather [hbm4b:s2+s15], $0x80, $0x38;
	[tilespmem:$0x10600] =	vst v63  }
0x6c: {  	s7 =	sadd.s32 s3, s5;
	s8 =	sand.u32 $0x1FFFFFF0, s6;
	s9 =	spop (v2sf)  }
0x6d: {  	[tilespmem:s25], [sflag:$0x1] =	stream.linear.gather [hbm4b:s7+s15], $0x80, $0x38;
	[tilespmem:$0x10600] =	vst v63  }
0x6e: {  	s10 =	sadd.s32 s4, s8;
	s11 =	sand.u32 $0x1FFFFFF0, s9;
	s14 =	spop (v2sf)  }
0x6f: {  	[tilespmem:s24], [sflag:$0x1] =	stream.linear.gather [hbm4b:s10+s15], $0x80, $0x38;
	[tilespmem:$0x10600] =	vst v63  }
0x70: {  	s16 =	sadd.s32 $0xB80, s17;
	s2 =	sadd.s32 s3, s11;
	s5 =	sand.u32 $0x1FFFFFF0, s14  }
0x71: {  	[tilespmem:s16], [sflag:$0x1] =	stream.linear.gather [hbm4b:s2+s15], $0x80, $0x38;
	[tilespmem:$0x10600] =	vst v63  }
0x72: {  	s19 =	sadd.s32 $0x8B80, s17;
	s20 =	sadd.s32 s4, s5  }
0x73: {  	[tilespmem:s19], [sflag:$0x1] =	stream.linear.gather [hbm4b:s20+s15], $0x80, $0x38;
	[tilespmem:$0x10600] =	vst v63  }
0x74: {  	v1 =	vld [tilespmem:s21+$0x0];
	_ =	sdelay $0x1  }
0x75: {  	v3 =	vld [tilespmem:s22+$0x0];
	_ =	sdelay $0x2  }
0x76: {  	v2 =	vshll.u32 v1, $0x4  }
0x77: {  	(v2sf) =	vpush v2, $0x0  }
0x78: {  	s23 =	smov.u32 s18;
	v1 =	vshll.u32 v3, $0x4  }
0x79: {  	p1 =	sne.s32 s18, $0x1E000;
	s18 =	sadd.s32 $0x2000, s18;
	s17 =	sshra.s32 s23, $0x2;
	(v2sf) =	vpush v1, $0x0  }
0x7a: {  	s31 =	sadd.s32 $0x8400, s17;
	s0 =	sadd.s32 $0x680, s17;
	s1 =	sadd.s32 $0x400, s17;
	(v2sf) =	vpush v2, $0x1  }
0x7b: {  	s6 =	sadd.s32 $0x8A00, s17;
	s30 =	sadd.s32 $0x500, s17;
	s28 =	sadd.s32 $0x8480, s17  }
0x7c: {  	s29 =	sadd.s32 $0x8500, s17;
	s26 =	sadd.s32 $0x8880, s17;
	[dreg:$0xb] =	wrdreg s0;
	(v2sf) =	vpush v1, $0x1  }
0x7d: {  	s23 =	sadd.s32 $0x8800, s17;
	s0 =	sadd.s32 $0x8580, s17;
	[dreg:$0x7] =	wrdreg s26  }
0x7e: {  	s9 =	sadd.s32 $0x700, s17;
	s8 =	sadd.s32 $0x8980, s17;
	[dreg:$0x9] =	wrdreg s23;
	(v2sf) =	vpush v2, $0x2  }
0x7f: {  	s26 =	sadd.s32 $0xA00, s17;
	s23 =	sadd.s32 $0x480, s17;
	s11 =	sadd.s32 $0x600, s17  }
0x80: {  	[dreg:$0x4] =	wrdreg s8;
	s8 =	sadd.s32 $0x8700, s17;
	s14 =	smov.u32 s4;
	(v2sf) =	vpush v1, $0x2  }
0x81: {  	s25 =	sadd.s32 $0x8900, s17;
	s7 =	sadd.s32 $0x8600, s17;
	s5 =	simm.s32 $0x0  }
0x82: {  	[dreg:$0x3] =	wrdreg s25;
	s25 =	sadd.s32 $0x800, s17;
	s24 =	sadd.s32 $0x880, s17;
	(v2sf) =	vpush v2, $0x3  }
0x83: {  	s10 =	sadd.s32 $0x8A80, s17;
	[dreg:$0xa] =	wrdreg s25;
	s25 =	sadd.s32 $0xB00, s17;
	(v2sf) =	vpush v1, $0x3  }
0x84: {  	[dreg:$0x5] =	wrdreg s24;
	s24 =	sadd.s32 $0x8780, s17;
	s2 =	sadd.s32 $0x580, s17  }
0x85: {  	s16 =	sadd.s32 $0xA80, s17;
	[dreg:$0xc] =	wrdreg s24;
	s19 =	sadd.s32 $0x900, s17;
	(v2sf) =	vpush v2, $0x4  }
0x86: {  	s20 =	sadd.s32 $0x780, s17;
	[dreg:$0x6] =	wrdreg s19;
	s19 =	spop (v2sf)  }
0x87: {  	[dreg:$0xd] =	wrdreg s20;
	s4 =	sand.u32 $0x1FFFFFF0, s19;
	s19 =	sadd.s32 $0x980, s17  }
0x88: {  	s24 =	sadd.s32 $0x8B00, s17;
	s20 =	spop (v2sf);
	[dreg:$0x8] =	wrdreg s19  }
0x89: {  	s4 =	sadd.s32 s3, s4;
	s19 =	sand.u32 $0x1FFFFFF0, s20;
	s20 =	spop (v2sf)  }
0x8a: {  	(v2sf) =	vpush v1, $0x4;
	[tilespmem:s1], [sflag:$0x1] =	stream.linear.gather [hbm4b:s4+s5], $0x80, $0x38;
	[tilespmem:$0x10600] =	vst v63  }
0x8b: {  	s4 =	sadd.s32 s14, s19;
	s19 =	sand.u32 $0x1FFFFFF0, s20;
	s20 =	spop (v2sf)  }
0x8c: {  	(v2sf) =	vpush v2, $0x5;
	[tilespmem:s31], [sflag:$0x1] =	stream.linear.gather [hbm4b:s4+s5], $0x80, $0x38;
	[tilespmem:$0x10600] =	vst v63  }
0x8d: {  	s20 =	sand.u32 $0x1FFFFFF0, s20;
	s4 =	sadd.s32 s3, s19;
	s31 =	spop (v2sf)  }
0x8e: {  	(v2sf) =	vpush v1, $0x5;
	[tilespmem:s23], [sflag:$0x1] =	stream.linear.gather [hbm4b:s4+s5], $0x80, $0x38;
	[tilespmem:$0x10600] =	vst v63  }
0x8f: {  	s15 =	sadd.s32 $0x8680, s17;
	s4 =	sadd.s32 s14, s20;
	s20 =	spop (v2sf)  }
0x90: {  	(v2sf) =	vpush v2, $0x6;
	[tilespmem:s28], [sflag:$0x1] =	stream.linear.gather [hbm4b:s4+s5], $0x80, $0x38;
	[tilespmem:$0x10600] =	vst v63  }
0x91: {  	s19 =	sand.u32 $0x1FFFFFF0, s31;
	(v2sf) =	vpush v1, $0x6;
	s31 =	spop (v2sf);
	s28 =	sand.u32 $0x1FFFFFF0, s20  }
0x92: {  	s23 =	sadd.s32 s3, s19;
	s20 =	sadd.s32 s14, s28;
	s28 =	spop (v2sf)  }
0x93: {  	[tilespmem:s30], [sflag:$0x1] =	stream.linear.gather [hbm4b:s23+s5], $0x80, $0x38;
	[tilespmem:$0x10600] =	vst v63  }
0x94: {  	s21 =	sadd.s32 $0x10, s21;
	s23 =	sand.u32 $0x1FFFFFF0, s31;
	s31 =	spop (v2sf)  }
0x95: {  	s22 =	sadd.s32 $0x10, s22;
	(v2sf) =	vpush v2, $0x7;
	s30 =	sand.u32 $0x1FFFFFF0, s28;
	s4 =	sand.u32 $0x1FFFFFF0, s31  }
0x96: {  	[tilespmem:s29], [sflag:$0x1] =	stream.linear.gather [hbm4b:s20+s5], $0x80, $0x38;
	[tilespmem:$0x10600] =	vst v63  }
0x97: {  	(v2sf) =	vpush v1, $0x7;
	s29 =	sadd.s32 s3, s23;
	s20 =	sadd.s32 s3, s4;
	s4 =	smov.u32 s14  }
0x98: {  	[tilespmem:s2], [sflag:$0x1] =	stream.linear.gather [hbm4b:s29+s5], $0x80, $0x38;
	[tilespmem:$0x10600] =	vst v63  }
0x99: {  	(v2sf) =	vpush v2, $0x8;
	s2 =	sadd.s32 s14, s30;
	s14 =	smov.u32 s6;
	s19 =	spop (v2sf)  }
0x9a: {  	[tilespmem:s0], [sflag:$0x1] =	stream.linear.gather [hbm4b:s2+s5], $0x80, $0x38;
	[tilespmem:$0x10600] =	vst v63  }
0x9b: {  	(v2sf) =	vpush v1, $0x8;
	s23 =	sand.u32 $0x1FFFFFF0, s19;
	s28 =	spop (v2sf);
	s19 =	rddreg [dreg:$0xb]  }
0x9c: {  	[tilespmem:s11], [sflag:$0x1] =	stream.linear.gather [hbm4b:s20+s5], $0x80, $0x38;
	[tilespmem:$0x10600] =	vst v63  }
0x9d: {  	s29 =	sadd.s32 s4, s23;
	s30 =	sand.u32 $0x1FFFFFF0, s28;
	s31 =	spop (v2sf)  }
0x9e: {  	(v2sf) =	vpush v2, $0x9;
	[tilespmem:s7], [sflag:$0x1] =	stream.linear.gather [hbm4b:s29+s5], $0x80, $0x38;
	[tilespmem:$0x10600] =	vst v63  }
0x9f: {  	(v2sf) =	vpush v1, $0x9;
	s6 =	sadd.s32 s3, s30;
	s11 =	spop (v2sf);
	s7 =	sand.u32 $0x1FFFFFF0, s31  }
0xa0: {  	s23 =	sand.u32 $0x1FFFFFF0, s11;
	s20 =	sadd.s32 s4, s7;
	s28 =	spop (v2sf)  }
0xa1: {  	[tilespmem:s19], [sflag:$0x1] =	stream.linear.gather [hbm4b:s6+s5], $0x80, $0x38;
	[tilespmem:$0x10600] =	vst v63  }
0xa2: {  	s29 =	sadd.s32 s3, s23;
	s23 =	rddreg [dreg:$0xc];
	s30 =	sand.u32 $0x1FFFFFF0, s28  }
0xa3: {  	(v2sf) =	vpush v2, $0xA;
	[tilespmem:s15], [sflag:$0x1] =	stream.linear.gather [hbm4b:s20+s5], $0x80, $0x38;
	[tilespmem:$0x10600] =	vst v63  }
0xa4: {  	s31 =	spop (v2sf);
	s1 =	sadd.s32 s4, s30;
	s15 =	simm.s32 $0x0  }
0xa5: {  	(v2sf) =	vpush v1, $0xA;
	[tilespmem:s9], [sflag:$0x1] =	stream.linear.gather [hbm4b:s29+s15], $0x80, $0x38;
	[tilespmem:$0x10600] =	vst v63  }
0xa6: {  	s2 =	sand.u32 $0x1FFFFFF0, s31;
	s31 =	rddreg [dreg:$0xa];
	s5 =	spop (v2sf)  }
0xa7: {  	(v2sf) =	vpush v2, $0xB;
	[tilespmem:s8], [sflag:$0x1] =	stream.linear.gather [hbm4b:s1+s15], $0x80, $0x38;
	[tilespmem:$0x10600] =	vst v63  }
0xa8: {  	s6 =	sadd.s32 s3, s2;
	s9 =	rddreg [dreg:$0xd];
	s8 =	spop (v2sf)  }
0xa9: {  	[tilespmem:s9], [sflag:$0x1] =	stream.linear.gather [hbm4b:s6+s15], $0x80, $0x38;
	[tilespmem:$0x10600] =	vst v63  }
0xaa: {  	s7 =	sand.u32 $0x1FFFFFF0, s5;
	s19 =	sand.u32 $0x1FFFFFF0, s8;
	s20 =	spop (v2sf)  }
0xab: {  	(v2sf) =	vpush v1, $0xB;
	s11 =	sadd.s32 s4, s7;
	s28 =	sadd.s32 s3, s19;
	s29 =	sand.u32 $0x1FFFFFF0, s20  }
0xac: {  	(v2sf) =	vpush v2, $0xC;
	[tilespmem:s23], [sflag:$0x1] =	stream.linear.gather [hbm4b:s11+s15], $0x80, $0x38;
	[tilespmem:$0x10600] =	vst v63  }
0xad: {  	s9 =	rddreg [dreg:$0x9];
	s30 =	spop (v2sf);
	s6 =	sadd.s32 s4, s29  }
0xae: {  	(v2sf) =	vpush v1, $0xC;
	s7 =	sand.u32 $0x1FFFFFF0, s30;
	s8 =	spop (v2sf);
	s23 =	rddreg [dreg:$0x5]  }
0xaf: {  	[tilespmem:s31], [sflag:$0x1] =	stream.linear.gather [hbm4b:s28+s15], $0x80, $0x38;
	[tilespmem:$0x10600] =	vst v63  }
0xb0: {  	s11 =	sadd.s32 s3, s7;
	s19 =	sand.u32 $0x1FFFFFF0, s8;
	s8 =	rddreg [dreg:$0x6]  }
0xb1: {  	[tilespmem:s9], [sflag:$0x1] =	stream.linear.gather [hbm4b:s6+s15], $0x80, $0x38;
	[tilespmem:$0x10600] =	vst v63  }
0xb2: {  	s20 =	spop (v2sf);
	s28 =	sadd.s32 s4, s19;
	s31 =	rddreg [dreg:$0x7]  }
0xb3: {  	[tilespmem:s23], [sflag:$0x1] =	stream.linear.gather [hbm4b:s11+s15], $0x80, $0x38;
	[tilespmem:$0x10600] =	vst v63  }
0xb4: {  	s29 =	sand.u32 $0x1FFFFFF0, s20;
	s20 =	rddreg [dreg:$0x3];
	s30 =	spop (v2sf)  }
0xb5: {  	[tilespmem:s31], [sflag:$0x1] =	stream.linear.gather [hbm4b:s28+s15], $0x80, $0x38;
	[tilespmem:$0x10600] =	vst v63  }
0xb6: {  	s5 =	sadd.s32 s3, s29;
	s6 =	sand.u32 $0x1FFFFFF0, s30;
	s7 =	spop (v2sf)  }
0xb7: {  	[tilespmem:s8], [sflag:$0x1] =	stream.linear.gather [hbm4b:s5+s15], $0x80, $0x38;
	[tilespmem:$0x10600] =	vst v63  }
0xb8: {  	s30 =	rddreg [dreg:$0x8];
	s9 =	sadd.s32 s4, s6;
	s11 =	sand.u32 $0x1FFFFFF0, s7  }
0xb9: {  	(v2sf) =	vpush v2, $0xD;
	[tilespmem:s20], [sflag:$0x1] =	stream.linear.gather [hbm4b:s9+s15], $0x80, $0x38;
	[tilespmem:$0x10600] =	vst v63  }
.Ltmp0:
0xba: {  	(v2sf) =	vpush v1, $0xD;
	s19 =	spop (v2sf);
	s23 =	sadd.s32 s3, s11;
	(pc) =	sbr.rel @p1 .LBB2_3-.Ltmp0, $4  }
0xbb: {  	(v2sf) =	vpush v2, $0xE;
	s28 =	sand.u32 $0x1FFFFFF0, s19;
	s31 =	rddreg [dreg:$0x4];
	s29 =	spop (v2sf)  }
0xbc: {  	(v2sf) =	vpush v1, $0xE;
	[tilespmem:s30], [sflag:$0x1] =	stream.linear.gather [hbm4b:s23+s15], $0x80, $0x38;
	[tilespmem:$0x10600] =	vst v63  }
0xbd: {  	(v2sf) =	vpush v2, $0xF;
	s1 =	sadd.s32 s4, s28;
	s0 =	sand.u32 $0x1FFFFFF0, s29;
	s2 =	spop (v2sf)  }
0xbe: {  	(v2sf) =	vpush v1, $0xF;
	[tilespmem:s31], [sflag:$0x1] =	stream.linear.gather [hbm4b:s1+s15], $0x80, $0x38;
	[tilespmem:$0x10600] =	vst v63  }
0xbf: {  	_ =	sdelay $0x4  }
0xc0: {  	s0 =	sadd.s32 s3, s0;
	s1 =	sand.u32 $0x1FFFFFF0, s2  }
0xc1: {  	[tilespmem:s26], [sflag:$0x1] =	stream.linear.gather [hbm4b:s0+s15], $0x80, $0x38;
	[tilespmem:$0x10600] =	vst v63  }
0xc2: {  	s5 =	sadd.s32 s4, s1  }
0xc3: {  	[tilespmem:s14], [sflag:$0x1] =	stream.linear.gather [hbm4b:s5+s15], $0x80, $0x38;
	[tilespmem:$0x10600] =	vst v63  }
0xc4: {  	s31 =	spop (v2sf)  }
0xc5: {  	s28 =	sadd.s32 $0x8B80, s17;
	s6 =	sand.u32 $0x1FFFFFF0, s31;
	s7 =	spop (v2sf)  }
0xc6: {  	s8 =	sadd.s32 s3, s6;
	s9 =	sand.u32 $0x1FFFFFF0, s7;
	s11 =	spop (v2sf)  }
0xc7: {  	[tilespmem:s16], [sflag:$0x1] =	stream.linear.gather [hbm4b:s8+s15], $0x80, $0x38;
	[tilespmem:$0x10600] =	vst v63  }
0xc8: {  	s14 =	sadd.s32 s4, s9;
	s16 =	sand.u32 $0x1FFFFFF0, s11;
	s18 =	spop (v2sf)  }
0xc9: {  	[tilespmem:s10], [sflag:$0x1] =	stream.linear.gather [hbm4b:s14+s15], $0x80, $0x38;
	[tilespmem:$0x10600] =	vst v63  }
0xca: {  	s19 =	sadd.s32 s3, s16;
	s20 =	sand.u32 $0x1FFFFFF0, s18;
	s21 =	spop (v2sf)  }
0xcb: {  	[tilespmem:s25], [sflag:$0x1] =	stream.linear.gather [hbm4b:s19+s15], $0x80, $0x38;
	[tilespmem:$0x10600] =	vst v63  }
0xcc: {  	s22 =	sadd.s32 s4, s20;
	s23 =	sand.u32 $0x1FFFFFF0, s21;
	s25 =	spop (v2sf)  }
0xcd: {  	[tilespmem:s24], [sflag:$0x1] =	stream.linear.gather [hbm4b:s22+s15], $0x80, $0x38;
	[tilespmem:$0x10600] =	vst v63  }
0xce: {  	s26 =	sadd.s32 $0xB80, s17;
	s1 =	sadd.s32 s3, s23;
	s2 =	sand.u32 $0x1FFFFFF0, s25  }
0xcf: {  	[tilespmem:s26], [sflag:$0x1] =	stream.linear.gather [hbm4b:s1+s15], $0x80, $0x38;
	[tilespmem:$0x10600] =	vst v63  }
0xd0: {  	s30 =	simm.s32 $0x1;
	s17 =	simm.s32 $0x0;
	s29 =	sadd.s32 s4, s2  }
0xd1: {  	v1 =	vmov s17;
	[tilespmem:s28], [sflag:$0x1] =	stream.linear.gather [hbm4b:s29+s15], $0x80, $0x38;
	[tilespmem:$0x10600] =	vst v63  }
0xd2: {  	v1 =	vshll.u32 v1, $0x7;
	_ =	swait.ge [sflag:s30], $0x8000  }
0xd3: {  	v1 =	vor.u32 v0, v1;
	[sflag:s30] =	ssyncset.done $0x0  }
0xd4: {  	[sflag:s30] =	ssyncadd.s32 $0xFFFF8000  }
0xd5: {  	v2 =	vor.u32 $0x1, v1;
	_ =	swait.ge [sflag:s30], $0x8000  }
0xd6: {  	[sflag:s30] =	ssyncset.done $0x0  }
0xd7: {  	v3 =	vor.u32 $0x2, v1;
	[sflag:s30] =	ssyncadd.s32 $0xFFFF8000  }
0xd8: {  	v4 =	vld.idx.msk [tilespmem:v1+s13+$0x0], $0xffff  }
0xd9: {  	v6 =	vor.u32 $0x3, v1;
	v5 =	vld.idx.msk [tilespmem:v1+s12+$0x0], $0xffff  }
0xda: {  	v7 =	vld.idx.msk [tilespmem:v2+s12+$0x0], $0xffff  }
0xdb: {  	v8 =	vor.u32 $0x4, v1;
	v2 =	vld.idx.msk [tilespmem:v2+s13+$0x0], $0xffff  }
0xdc: {  	v9 =	vld.idx.msk [tilespmem:v3+s12+$0x0], $0xffff  }
0xdd: {  	v10 =	vor.u32 $0x5, v1;
	v3 =	vld.idx.msk [tilespmem:v3+s13+$0x0], $0xffff  }
0xde: {  	v11 =	vld.idx.msk [tilespmem:v6+s12+$0x0], $0xffff  }
0xdf: {  	v12 =	vor.u32 $0x6, v1;
	v6 =	vld.idx.msk [tilespmem:v6+s13+$0x0], $0xffff  }
0xe0: {  	v13 =	vld.idx.msk [tilespmem:v8+s12+$0x0], $0xffff;
	v4 =	vmul.f32 v4, v5;
	v2 =	vmul.f32 v2, v7  }
0xe1: {  	v58 =	vor.u32 $0x7, v1;
	v5 =	vld.idx.msk [tilespmem:v8+s13+$0x0], $0xffff  }
0xe2: {  	v59 =	vld.idx.msk [tilespmem:v10+s12+$0x0], $0xffff;
	v3 =	vmul.f32 v3, v9;
	v2 =	vadd.f32 v2, v4  }
0xe3: {  	v60 =	vor.u32 $0x8, v1;
	v4 =	vld.idx.msk [tilespmem:v10+s13+$0x0], $0xffff  }
0xe4: {  	v61 =	vld.idx.msk [tilespmem:v12+s12+$0x0], $0xffff;
	v2 =	vadd.f32 v3, v2;
	v3 =	vmul.f32 v6, v11  }
0xe5: {  	v63 =	vor.u32 $0x9, v1;
	v62 =	vld.idx.msk [tilespmem:v12+s13+$0x0], $0xffff  }
0xe6: {  	v16 =	vld.idx.msk [tilespmem:v58+s12+$0x0], $0xffff;
	v2 =	vadd.f32 v3, v2;
	v3 =	vmul.f32 v5, v13  }
0xe7: {  	v17 =	vor.u32 $0xA, v1;
	v5 =	vld.idx.msk [tilespmem:v58+s13+$0x0], $0xffff  }
0xe8: {  	v18 =	vld.idx.msk [tilespmem:v60+s12+$0x0], $0xffff;
	v2 =	vadd.f32 v3, v2;
	v3 =	vmul.f32 v4, v59  }
0xe9: {  	v19 =	vor.u32 $0xB, v1;
	v4 =	vld.idx.msk [tilespmem:v60+s13+$0x0], $0xffff  }
0xea: {  	v20 =	vld.idx.msk [tilespmem:v63+s12+$0x0], $0xffff;
	v2 =	vadd.f32 v3, v2;
	v3 =	vmul.f32 v62, v61  }
0xeb: {  	v22 =	vor.u32 $0xC, v1;
	v21 =	vld.idx.msk [tilespmem:v63+s13+$0x0], $0xffff  }
0xec: {  	v23 =	vld.idx.msk [tilespmem:v17+s12+$0x0], $0xffff;
	v2 =	vadd.f32 v3, v2;
	v3 =	vmul.f32 v5, v16  }
0xed: {  	v24 =	vor.u32 $0xD, v1;
	v5 =	vld.idx.msk [tilespmem:v17+s13+$0x0], $0xffff  }
0xee: {  	v25 =	vld.idx.msk [tilespmem:v19+s12+$0x0], $0xffff;
	v2 =	vadd.f32 v3, v2;
	v3 =	vmul.f32 v4, v18  }
0xef: {  	v26 =	vor.u32 $0xE, v1;
	v4 =	vld.idx.msk [tilespmem:v19+s13+$0x0], $0xffff  }
0xf0: {  	v27 =	vld.idx.msk [tilespmem:v22+s12+$0x0], $0xffff;
	v2 =	vadd.f32 v3, v2;
	v3 =	vmul.f32 v21, v20  }
0xf1: {  	v29 =	vor.u32 $0xF, v1;
	v28 =	vld.idx.msk [tilespmem:v22+s13+$0x0], $0xffff  }
0xf2: {  	v30 =	vld.idx.msk [tilespmem:v24+s12+$0x0], $0xffff;
	v2 =	vadd.f32 v3, v2;
	v3 =	vmul.f32 v5, v23  }
0xf3: {  	v31 =	vor.u32 $0x10, v1;
	v5 =	vld.idx.msk [tilespmem:v24+s13+$0x0], $0xffff  }
0xf4: {  	v32 =	vld.idx.msk [tilespmem:v26+s12+$0x0], $0xffff;
	v2 =	vadd.f32 v3, v2;
	v3 =	vmul.f32 v4, v25  }
0xf5: {  	v33 =	vor.u32 $0x11, v1;
	v4 =	vld.idx.msk [tilespmem:v26+s13+$0x0], $0xffff  }
0xf6: {  	v34 =	vld.idx.msk [tilespmem:v29+s12+$0x0], $0xffff;
	v2 =	vadd.f32 v3, v2;
	v3 =	vmul.f32 v28, v27  }
0xf7: {  	v36 =	vor.u32 $0x12, v1;
	v35 =	vld.idx.msk [tilespmem:v29+s13+$0x0], $0xffff  }
0xf8: {  	v37 =	vld.idx.msk [tilespmem:v31+s12+$0x0], $0xffff;
	v2 =	vadd.f32 v3, v2;
	v3 =	vmul.f32 v5, v30  }
0xf9: {  	v38 =	vor.u32 $0x13, v1;
	v5 =	vld.idx.msk [tilespmem:v31+s13+$0x0], $0xffff  }
0xfa: {  	v39 =	vld.idx.msk [tilespmem:v33+s12+$0x0], $0xffff;
	v2 =	vadd.f32 v3, v2;
	v3 =	vmul.f32 v4, v32  }
0xfb: {  	v40 =	vor.u32 $0x14, v1;
	v4 =	vld.idx.msk [tilespmem:v33+s13+$0x0], $0xffff  }
0xfc: {  	v41 =	vld.idx.msk [tilespmem:v36+s12+$0x0], $0xffff;
	v2 =	vadd.f32 v3, v2;
	v3 =	vmul.f32 v35, v34  }
0xfd: {  	v43 =	vor.u32 $0x15, v1;
	v42 =	vld.idx.msk [tilespmem:v36+s13+$0x0], $0xffff  }
0xfe: {  	v44 =	vld.idx.msk [tilespmem:v38+s12+$0x0], $0xffff;
	v2 =	vadd.f32 v3, v2;
	v3 =	vmul.f32 v5, v37  }
0xff: {  	v45 =	vor.u32 $0x16, v1;
	v5 =	vld.idx.msk [tilespmem:v38+s13+$0x0], $0xffff  }
0x100: {  	v46 =	vld.idx.msk [tilespmem:v40+s12+$0x0], $0xffff;
	v2 =	vadd.f32 v3, v2;
	v3 =	vmul.f32 v4, v39  }
0x101: {  	v47 =	vor.u32 $0x17, v1;
	v4 =	vld.idx.msk [tilespmem:v40+s13+$0x0], $0xffff  }
0x102: {  	v48 =	vld.idx.msk [tilespmem:v43+s12+$0x0], $0xffff;
	v2 =	vadd.f32 v3, v2;
	v3 =	vmul.f32 v42, v41  }
0x103: {  	v50 =	vor.u32 $0x18, v1;
	v49 =	vld.idx.msk [tilespmem:v43+s13+$0x0], $0xffff  }
0x104: {  	v51 =	vld.idx.msk [tilespmem:v45+s12+$0x0], $0xffff;
	v2 =	vadd.f32 v3, v2;
	v3 =	vmul.f32 v5, v44  }
0x105: {  	v52 =	vor.u32 $0x19, v1;
	v5 =	vld.idx.msk [tilespmem:v45+s13+$0x0], $0xffff  }
0x106: {  	v53 =	vld.idx.msk [tilespmem:v47+s12+$0x0], $0xffff;
	v2 =	vadd.f32 v3, v2;
	v3 =	vmul.f32 v4, v46  }
0x107: {  	v54 =	vor.u32 $0x1A, v1;
	v4 =	vld.idx.msk [tilespmem:v47+s13+$0x0], $0xffff  }
0x108: {  	v55 =	vld.idx.msk [tilespmem:v50+s12+$0x0], $0xffff;
	v2 =	vadd.f32 v3, v2;
	v3 =	vmul.f32 v49, v48  }
0x109: {  	v57 =	vor.u32 $0x1B, v1;
	v56 =	vld.idx.msk [tilespmem:v50+s13+$0x0], $0xffff  }
0x10a: {  	v58 =	vld.idx.msk [tilespmem:v52+s12+$0x0], $0xffff;
	v2 =	vadd.f32 v3, v2;
	v3 =	vmul.f32 v5, v51  }
0x10b: {  	v59 =	vor.u32 $0x1C, v1;
	v5 =	vld.idx.msk [tilespmem:v52+s13+$0x0], $0xffff  }
0x10c: {  	v60 =	vld.idx.msk [tilespmem:v54+s12+$0x0], $0xffff;
	v2 =	vadd.f32 v3, v2;
	v3 =	vmul.f32 v4, v53  }
0x10d: {  	v61 =	vor.u32 $0x1D, v1;
	v4 =	vld.idx.msk [tilespmem:v54+s13+$0x0], $0xffff  }
0x10e: {  	v63 =	vld.idx.msk [tilespmem:v57+s13+$0x0], $0xffff;
	v2 =	vadd.f32 v3, v2;
	v3 =	vmul.f32 v56, v55  }
0x10f: {  	v62 =	vld.idx.msk [tilespmem:v57+s12+$0x0], $0xffff;
	v16 =	vor.u32 $0x1E, v1  }
0x110: {  	v17 =	vld.idx.msk [tilespmem:v59+s12+$0x0], $0xffff;
	v2 =	vadd.f32 v3, v2;
	v3 =	vmul.f32 v5, v58  }
0x111: {  	v18 =	vor.u32 $0x1F, v1;
	v5 =	vld.idx.msk [tilespmem:v59+s13+$0x0], $0xffff  }
0x112: {  	v19 =	vld.idx.msk [tilespmem:v61+s12+$0x0], $0xffff;
	v2 =	vadd.f32 v3, v2;
	v3 =	vmul.f32 v4, v60  }
0x113: {  	v20 =	vor.u32 $0x20, v1;
	v4 =	vld.idx.msk [tilespmem:v61+s13+$0x0], $0xffff  }
0x114: {  	v21 =	vld.idx.msk [tilespmem:v16+s12+$0x0], $0xffff;
	v2 =	vadd.f32 v3, v2;
	v3 =	vmul.f32 v63, v62  }
0x115: {  	v22 =	vld.idx.msk [tilespmem:v16+s13+$0x0], $0xffff;
	v23 =	vor.u32 $0x21, v1  }
0x116: {  	v24 =	vld.idx.msk [tilespmem:v18+s12+$0x0], $0xffff;
	v2 =	vadd.f32 v3, v2;
	v3 =	vmul.f32 v5, v17  }
0x117: {  	v25 =	vor.u32 $0x22, v1;
	v5 =	vld.idx.msk [tilespmem:v18+s13+$0x0], $0xffff  }
0x118: {  	v26 =	vld.idx.msk [tilespmem:v20+s12+$0x0], $0xffff;
	v2 =	vadd.f32 v3, v2;
	v3 =	vmul.f32 v4, v19  }
0x119: {  	v27 =	vor.u32 $0x23, v1;
	v4 =	vld.idx.msk [tilespmem:v20+s13+$0x0], $0xffff  }
0x11a: {  	v28 =	vld.idx.msk [tilespmem:v23+s12+$0x0], $0xffff;
	v2 =	vadd.f32 v3, v2;
	v3 =	vmul.f32 v22, v21  }
0x11b: {  	v29 =	vld.idx.msk [tilespmem:v23+s13+$0x0], $0xffff;
	v30 =	vor.u32 $0x24, v1  }
0x11c: {  	v31 =	vld.idx.msk [tilespmem:v25+s12+$0x0], $0xffff;
	v2 =	vadd.f32 v3, v2;
	v3 =	vmul.f32 v5, v24  }
0x11d: {  	v32 =	vor.u32 $0x25, v1;
	v5 =	vld.idx.msk [tilespmem:v25+s13+$0x0], $0xffff  }
0x11e: {  	v33 =	vld.idx.msk [tilespmem:v27+s12+$0x0], $0xffff;
	v2 =	vadd.f32 v3, v2;
	v3 =	vmul.f32 v4, v26  }
0x11f: {  	v34 =	vor.u32 $0x26, v1;
	v4 =	vld.idx.msk [tilespmem:v27+s13+$0x0], $0xffff  }
0x120: {  	v35 =	vld.idx.msk [tilespmem:v30+s12+$0x0], $0xffff;
	v2 =	vadd.f32 v3, v2;
	v3 =	vmul.f32 v29, v28  }
0x121: {  	v36 =	vld.idx.msk [tilespmem:v30+s13+$0x0], $0xffff;
	v37 =	vor.u32 $0x27, v1  }
0x122: {  	v38 =	vld.idx.msk [tilespmem:v32+s12+$0x0], $0xffff;
	v2 =	vadd.f32 v3, v2;
	v3 =	vmul.f32 v5, v31  }
0x123: {  	v39 =	vor.u32 $0x28, v1;
	v5 =	vld.idx.msk [tilespmem:v32+s13+$0x0], $0xffff  }
0x124: {  	v40 =	vld.idx.msk [tilespmem:v34+s12+$0x0], $0xffff;
	v2 =	vadd.f32 v3, v2;
	v3 =	vmul.f32 v4, v33  }
0x125: {  	v41 =	vor.u32 $0x29, v1;
	v4 =	vld.idx.msk [tilespmem:v34+s13+$0x0], $0xffff  }
0x126: {  	v42 =	vld.idx.msk [tilespmem:v37+s12+$0x0], $0xffff;
	v2 =	vadd.f32 v3, v2;
	v3 =	vmul.f32 v36, v35  }
0x127: {  	v43 =	vld.idx.msk [tilespmem:v37+s13+$0x0], $0xffff;
	v44 =	vor.u32 $0x2A, v1  }
0x128: {  	v45 =	vld.idx.msk [tilespmem:v39+s12+$0x0], $0xffff;
	v2 =	vadd.f32 v3, v2;
	v3 =	vmul.f32 v5, v38  }
0x129: {  	v46 =	vor.u32 $0x2B, v1;
	v5 =	vld.idx.msk [tilespmem:v39+s13+$0x0], $0xffff  }
0x12a: {  	v47 =	vld.idx.msk [tilespmem:v41+s12+$0x0], $0xffff;
	v2 =	vadd.f32 v3, v2;
	v3 =	vmul.f32 v4, v40  }
0x12b: {  	v48 =	vor.u32 $0x2C, v1;
	v4 =	vld.idx.msk [tilespmem:v41+s13+$0x0], $0xffff  }
0x12c: {  	v49 =	vld.idx.msk [tilespmem:v44+s12+$0x0], $0xffff;
	v2 =	vadd.f32 v3, v2;
	v3 =	vmul.f32 v43, v42  }
0x12d: {  	v50 =	vld.idx.msk [tilespmem:v44+s13+$0x0], $0xffff;
	v51 =	vor.u32 $0x2D, v1  }
0x12e: {  	v52 =	vld.idx.msk [tilespmem:v46+s12+$0x0], $0xffff;
	v2 =	vadd.f32 v3, v2;
	v3 =	vmul.f32 v5, v45  }
0x12f: {  	v53 =	vor.u32 $0x2E, v1;
	v5 =	vld.idx.msk [tilespmem:v46+s13+$0x0], $0xffff  }
0x130: {  	v54 =	vld.idx.msk [tilespmem:v48+s12+$0x0], $0xffff;
	v2 =	vadd.f32 v3, v2;
	v3 =	vmul.f32 v4, v47  }
0x131: {  	v55 =	vor.u32 $0x2F, v1;
	v4 =	vld.idx.msk [tilespmem:v48+s13+$0x0], $0xffff  }
0x132: {  	v56 =	vld.idx.msk [tilespmem:v51+s12+$0x0], $0xffff;
	v2 =	vadd.f32 v3, v2;
	v3 =	vmul.f32 v50, v49  }
0x133: {  	v57 =	vld.idx.msk [tilespmem:v51+s13+$0x0], $0xffff;
	v58 =	vor.u32 $0x30, v1  }
0x134: {  	v59 =	vld.idx.msk [tilespmem:v53+s12+$0x0], $0xffff;
	v2 =	vadd.f32 v3, v2;
	v3 =	vmul.f32 v5, v52  }
0x135: {  	v1 =	vor.u32 $0x31, v1;
	v5 =	vld.idx.msk [tilespmem:v53+s13+$0x0], $0xffff  }
0x136: {  	v60 =	vld.idx.msk [tilespmem:v55+s12+$0x0], $0xffff;
	v2 =	vadd.f32 v3, v2;
	v3 =	vmul.f32 v4, v54  }
0x137: {  	v4 =	vld.idx.msk [tilespmem:v55+s13+$0x0], $0xffff  }
0x138: {  	v61 =	vld.idx.msk [tilespmem:v58+s12+$0x0], $0xffff;
	v2 =	vadd.f32 v3, v2;
	v3 =	vmul.f32 v57, v56  }
0x139: {  	v62 =	vld.idx.msk [tilespmem:v58+s13+$0x0], $0xffff  }
0x13a: {  	v63 =	vld.idx.msk [tilespmem:v1+s12+$0x0], $0xffff;
	v2 =	vadd.f32 v3, v2;
	v3 =	vmul.f32 v5, v59  }
0x13b: {  	v5 =	vld.idx.msk [tilespmem:v1+s13+$0x0], $0xffff  }
0x13c: {  	v1 =	vadd.f32 v3, v2;
	v2 =	vmul.f32 v4, v60  }
0x13d: {  	s18 =	simm.s32 $0x10  }
0x13e: {  	v3 =	vmov s18;
	v4 =	vmul.f32 v62, v61;
	v2 =	vadd.f32 v2, v1  }
0x13f: {  	s31 =	rddreg [dreg:$0x13];
	v1 =	vshll.u32 v3, $0x7  }
0x140: {  	s19 =	simm.s32 $0x20;
	s16 =	sadd.s32 $0x10400, s31;
	v1 =	vor.u32 v0, v1;
	v3 =	vmul.f32 v5, v63;
	v2 =	vadd.f32 v4, v2  }
.LBB2_5:
0x141: {  	p1 =	sne.s32 s19, $0xF0;
	s0 =	sand.u32 $0x80, s17  }
0x142: {  	v4 =	vor.u32 $0x1, v1;
	s1 =	sand.u32 $0x70, s17;
	s17 =	smov.u32 s18;
	v2 =	vadd.f32 v3, v2;
	s0 =	sadd.s32 s0, s16  }
0x143: {  	s18 =	smov.u32 s19;
	s0 =	sadd.s32 s1, s0  }
0x144: {  	v3 =	vor.u32 $0x2, v1;
	[tilespmem:s0+$0x0] =	vst v2  }
0x145: {  	v2 =	vld.idx.msk [tilespmem:v1+s13+$0x0], $0xffff  }
0x146: {  	v6 =	vor.u32 $0x3, v1;
	v5 =	vld.idx.msk [tilespmem:v1+s12+$0x0], $0xffff  }
0x147: {  	v7 =	vld.idx.msk [tilespmem:v4+s12+$0x0], $0xffff  }
0x148: {  	v8 =	vor.u32 $0x4, v1;
	v4 =	vld.idx.msk [tilespmem:v4+s13+$0x0], $0xffff  }
0x149: {  	v9 =	vld.idx.msk [tilespmem:v3+s12+$0x0], $0xffff  }
0x14a: {  	v10 =	vor.u32 $0x5, v1;
	v3 =	vld.idx.msk [tilespmem:v3+s13+$0x0], $0xffff  }
0x14b: {  	v11 =	vld.idx.msk [tilespmem:v6+s12+$0x0], $0xffff  }
0x14c: {  	v12 =	vor.u32 $0x6, v1;
	v6 =	vld.idx.msk [tilespmem:v6+s13+$0x0], $0xffff  }
0x14d: {  	v13 =	vld.idx.msk [tilespmem:v8+s12+$0x0], $0xffff  }
0x14e: {  	v2 =	vmul.f32 v2, v5;
	v4 =	vmul.f32 v4, v7;
	v7 =	vor.u32 $0x7, v1;
	v5 =	vld.idx.msk [tilespmem:v8+s13+$0x0], $0xffff  }
0x14f: {  	v8 =	vld.idx.msk [tilespmem:v10+s12+$0x0], $0xffff  }
0x150: {  	v2 =	vadd.f32 v4, v2;
	v3 =	vmul.f32 v3, v9;
	v9 =	vor.u32 $0x8, v1;
	v4 =	vld.idx.msk [tilespmem:v10+s13+$0x0], $0xffff  }
0x151: {  	v10 =	vld.idx.msk [tilespmem:v12+s12+$0x0], $0xffff  }
0x152: {  	v2 =	vadd.f32 v3, v2;
	v3 =	vmul.f32 v6, v11;
	v11 =	vor.u32 $0x9, v1;
	v6 =	vld.idx.msk [tilespmem:v12+s13+$0x0], $0xffff  }
0x153: {  	v12 =	vld.idx.msk [tilespmem:v7+s12+$0x0], $0xffff  }
0x154: {  	v2 =	vadd.f32 v3, v2;
	v3 =	vmul.f32 v5, v13;
	v5 =	vld.idx.msk [tilespmem:v7+s13+$0x0], $0xffff;
	v7 =	vor.u32 $0xA, v1  }
0x155: {  	v13 =	vld.idx.msk [tilespmem:v9+s12+$0x0], $0xffff  }
0x156: {  	v2 =	vadd.f32 v3, v2;
	v3 =	vmul.f32 v4, v8;
	v8 =	vor.u32 $0xB, v1;
	v4 =	vld.idx.msk [tilespmem:v9+s13+$0x0], $0xffff  }
0x157: {  	v9 =	vld.idx.msk [tilespmem:v11+s12+$0x0], $0xffff  }
0x158: {  	v2 =	vadd.f32 v3, v2;
	v3 =	vmul.f32 v6, v10;
	v10 =	vor.u32 $0xC, v1;
	v6 =	vld.idx.msk [tilespmem:v11+s13+$0x0], $0xffff  }
0x159: {  	v11 =	vld.idx.msk [tilespmem:v7+s12+$0x0], $0xffff  }
0x15a: {  	v2 =	vadd.f32 v3, v2;
	v3 =	vmul.f32 v5, v12;
	v5 =	vld.idx.msk [tilespmem:v7+s13+$0x0], $0xffff;
	v7 =	vor.u32 $0xD, v1  }
0x15b: {  	v12 =	vld.idx.msk [tilespmem:v8+s12+$0x0], $0xffff  }
0x15c: {  	v2 =	vadd.f32 v3, v2;
	v3 =	vmul.f32 v4, v13;
	v4 =	vld.idx.msk [tilespmem:v8+s13+$0x0], $0xffff;
	v8 =	vor.u32 $0xE, v1  }
0x15d: {  	v13 =	vld.idx.msk [tilespmem:v10+s12+$0x0], $0xffff  }
0x15e: {  	v2 =	vadd.f32 v3, v2;
	v3 =	vmul.f32 v6, v9;
	v9 =	vor.u32 $0xF, v1;
	v6 =	vld.idx.msk [tilespmem:v10+s13+$0x0], $0xffff  }
0x15f: {  	v10 =	vld.idx.msk [tilespmem:v7+s12+$0x0], $0xffff  }
0x160: {  	v2 =	vadd.f32 v3, v2;
	v3 =	vmul.f32 v5, v11;
	v5 =	vld.idx.msk [tilespmem:v7+s13+$0x0], $0xffff;
	v7 =	vor.u32 $0x10, v1  }
0x161: {  	v11 =	vld.idx.msk [tilespmem:v8+s12+$0x0], $0xffff  }
0x162: {  	v2 =	vadd.f32 v3, v2;
	v3 =	vmul.f32 v4, v12;
	v4 =	vld.idx.msk [tilespmem:v8+s13+$0x0], $0xffff;
	v8 =	vor.u32 $0x11, v1  }
0x163: {  	v12 =	vld.idx.msk [tilespmem:v9+s12+$0x0], $0xffff  }
0x164: {  	v2 =	vadd.f32 v3, v2;
	v3 =	vmul.f32 v6, v13;
	v6 =	vld.idx.msk [tilespmem:v9+s13+$0x0], $0xffff;
	v9 =	vor.u32 $0x12, v1  }
0x165: {  	v13 =	vld.idx.msk [tilespmem:v7+s12+$0x0], $0xffff  }
0x166: {  	v2 =	vadd.f32 v3, v2;
	v3 =	vmul.f32 v5, v10;
	v5 =	vld.idx.msk [tilespmem:v7+s13+$0x0], $0xffff;
	v7 =	vor.u32 $0x13, v1  }
0x167: {  	v10 =	vld.idx.msk [tilespmem:v8+s12+$0x0], $0xffff  }
0x168: {  	v2 =	vadd.f32 v3, v2;
	v3 =	vmul.f32 v4, v11;
	v4 =	vld.idx.msk [tilespmem:v8+s13+$0x0], $0xffff;
	v8 =	vor.u32 $0x14, v1  }
0x169: {  	v11 =	vld.idx.msk [tilespmem:v9+s12+$0x0], $0xffff  }
0x16a: {  	v2 =	vadd.f32 v3, v2;
	v3 =	vmul.f32 v6, v12;
	v6 =	vld.idx.msk [tilespmem:v9+s13+$0x0], $0xffff;
	v9 =	vor.u32 $0x15, v1  }
0x16b: {  	v12 =	vld.idx.msk [tilespmem:v7+s12+$0x0], $0xffff  }
0x16c: {  	v2 =	vadd.f32 v3, v2;
	v3 =	vmul.f32 v5, v13;
	v5 =	vld.idx.msk [tilespmem:v7+s13+$0x0], $0xffff;
	v7 =	vor.u32 $0x16, v1  }
0x16d: {  	v13 =	vld.idx.msk [tilespmem:v8+s12+$0x0], $0xffff  }
0x16e: {  	v2 =	vadd.f32 v3, v2;
	v3 =	vmul.f32 v4, v10;
	v4 =	vld.idx.msk [tilespmem:v8+s13+$0x0], $0xffff;
	v8 =	vor.u32 $0x17, v1  }
0x16f: {  	v10 =	vld.idx.msk [tilespmem:v9+s12+$0x0], $0xffff  }
0x170: {  	v2 =	vadd.f32 v3, v2;
	v3 =	vmul.f32 v6, v11;
	v6 =	vld.idx.msk [tilespmem:v9+s13+$0x0], $0xffff;
	v9 =	vor.u32 $0x18, v1  }
0x171: {  	v11 =	vld.idx.msk [tilespmem:v7+s12+$0x0], $0xffff  }
0x172: {  	v2 =	vadd.f32 v3, v2;
	v3 =	vmul.f32 v5, v12;
	v5 =	vld.idx.msk [tilespmem:v7+s13+$0x0], $0xffff;
	v7 =	vor.u32 $0x19, v1  }
0x173: {  	v12 =	vld.idx.msk [tilespmem:v8+s12+$0x0], $0xffff  }
0x174: {  	v2 =	vadd.f32 v3, v2;
	v3 =	vmul.f32 v4, v13;
	v4 =	vld.idx.msk [tilespmem:v8+s13+$0x0], $0xffff;
	v8 =	vor.u32 $0x1A, v1  }
0x175: {  	v13 =	vld.idx.msk [tilespmem:v9+s12+$0x0], $0xffff  }
0x176: {  	v2 =	vadd.f32 v3, v2;
	v3 =	vmul.f32 v6, v10;
	v6 =	vld.idx.msk [tilespmem:v9+s13+$0x0], $0xffff;
	v9 =	vor.u32 $0x1B, v1  }
0x177: {  	v10 =	vld.idx.msk [tilespmem:v7+s12+$0x0], $0xffff  }
0x178: {  	v2 =	vadd.f32 v3, v2;
	v3 =	vmul.f32 v5, v11;
	v5 =	vld.idx.msk [tilespmem:v7+s13+$0x0], $0xffff;
	v7 =	vor.u32 $0x1C, v1  }
0x179: {  	v11 =	vld.idx.msk [tilespmem:v8+s12+$0x0], $0xffff  }
0x17a: {  	v2 =	vadd.f32 v3, v2;
	v3 =	vmul.f32 v4, v12;
	v4 =	vld.idx.msk [tilespmem:v8+s13+$0x0], $0xffff;
	v8 =	vor.u32 $0x1D, v1  }
0x17b: {  	v12 =	vld.idx.msk [tilespmem:v9+s12+$0x0], $0xffff  }
0x17c: {  	v2 =	vadd.f32 v3, v2;
	v3 =	vmul.f32 v6, v13;
	v6 =	vld.idx.msk [tilespmem:v9+s13+$0x0], $0xffff;
	v9 =	vor.u32 $0x1E, v1  }
0x17d: {  	v13 =	vld.idx.msk [tilespmem:v7+s12+$0x0], $0xffff  }
0x17e: {  	v2 =	vadd.f32 v3, v2;
	v3 =	vmul.f32 v5, v10;
	v5 =	vld.idx.msk [tilespmem:v7+s13+$0x0], $0xffff;
	v7 =	vor.u32 $0x1F, v1  }
0x17f: {  	v10 =	vld.idx.msk [tilespmem:v8+s12+$0x0], $0xffff  }
0x180: {  	v2 =	vadd.f32 v3, v2;
	v3 =	vmul.f32 v4, v11;
	v4 =	vld.idx.msk [tilespmem:v8+s13+$0x0], $0xffff;
	v8 =	vor.u32 $0x20, v1  }
0x181: {  	v11 =	vld.idx.msk [tilespmem:v9+s12+$0x0], $0xffff  }
0x182: {  	v2 =	vadd.f32 v3, v2;
	v3 =	vmul.f32 v6, v12;
	v6 =	vld.idx.msk [tilespmem:v9+s13+$0x0], $0xffff;
	v9 =	vor.u32 $0x21, v1  }
0x183: {  	v12 =	vld.idx.msk [tilespmem:v7+s12+$0x0], $0xffff  }
0x184: {  	v2 =	vadd.f32 v3, v2;
	v3 =	vmul.f32 v5, v13;
	v5 =	vld.idx.msk [tilespmem:v7+s13+$0x0], $0xffff;
	v7 =	vor.u32 $0x22, v1  }
0x185: {  	v13 =	vld.idx.msk [tilespmem:v8+s12+$0x0], $0xffff  }
0x186: {  	v2 =	vadd.f32 v3, v2;
	v3 =	vmul.f32 v4, v10;
	v4 =	vld.idx.msk [tilespmem:v8+s13+$0x0], $0xffff;
	v8 =	vor.u32 $0x23, v1  }
0x187: {  	v10 =	vld.idx.msk [tilespmem:v9+s12+$0x0], $0xffff  }
0x188: {  	v2 =	vadd.f32 v3, v2;
	v3 =	vmul.f32 v6, v11;
	v6 =	vld.idx.msk [tilespmem:v9+s13+$0x0], $0xffff;
	v9 =	vor.u32 $0x24, v1  }
0x189: {  	v11 =	vld.idx.msk [tilespmem:v7+s12+$0x0], $0xffff  }
0x18a: {  	v2 =	vadd.f32 v3, v2;
	v3 =	vmul.f32 v5, v12;
	v5 =	vld.idx.msk [tilespmem:v7+s13+$0x0], $0xffff;
	v7 =	vor.u32 $0x25, v1  }
0x18b: {  	v12 =	vld.idx.msk [tilespmem:v8+s12+$0x0], $0xffff  }
0x18c: {  	v2 =	vadd.f32 v3, v2;
	v3 =	vmul.f32 v4, v13;
	v4 =	vld.idx.msk [tilespmem:v8+s13+$0x0], $0xffff;
	v8 =	vor.u32 $0x26, v1  }
0x18d: {  	v13 =	vld.idx.msk [tilespmem:v9+s12+$0x0], $0xffff  }
0x18e: {  	v2 =	vadd.f32 v3, v2;
	v3 =	vmul.f32 v6, v10;
	v6 =	vld.idx.msk [tilespmem:v9+s13+$0x0], $0xffff;
	v9 =	vor.u32 $0x27, v1  }
0x18f: {  	v10 =	vld.idx.msk [tilespmem:v7+s12+$0x0], $0xffff  }
0x190: {  	v2 =	vadd.f32 v3, v2;
	v3 =	vmul.f32 v5, v11;
	v5 =	vld.idx.msk [tilespmem:v7+s13+$0x0], $0xffff;
	v7 =	vor.u32 $0x28, v1  }
0x191: {  	v11 =	vld.idx.msk [tilespmem:v8+s12+$0x0], $0xffff  }
0x192: {  	v2 =	vadd.f32 v3, v2;
	v3 =	vmul.f32 v4, v12;
	v4 =	vld.idx.msk [tilespmem:v8+s13+$0x0], $0xffff;
	v8 =	vor.u32 $0x29, v1  }
0x193: {  	v12 =	vld.idx.msk [tilespmem:v9+s12+$0x0], $0xffff  }
0x194: {  	v2 =	vadd.f32 v3, v2;
	v3 =	vmul.f32 v6, v13;
	v6 =	vld.idx.msk [tilespmem:v9+s13+$0x0], $0xffff;
	v9 =	vor.u32 $0x2A, v1  }
0x195: {  	v13 =	vld.idx.msk [tilespmem:v7+s12+$0x0], $0xffff  }
0x196: {  	v2 =	vadd.f32 v3, v2;
	v3 =	vmul.f32 v5, v10;
	v5 =	vld.idx.msk [tilespmem:v7+s13+$0x0], $0xffff;
	v7 =	vor.u32 $0x2B, v1  }
0x197: {  	v10 =	vld.idx.msk [tilespmem:v8+s12+$0x0], $0xffff  }
0x198: {  	v2 =	vadd.f32 v3, v2;
	v3 =	vmul.f32 v4, v11;
	v4 =	vld.idx.msk [tilespmem:v8+s13+$0x0], $0xffff;
	v8 =	vor.u32 $0x2C, v1  }
0x199: {  	v11 =	vld.idx.msk [tilespmem:v9+s12+$0x0], $0xffff  }
0x19a: {  	v2 =	vadd.f32 v3, v2;
	v3 =	vmul.f32 v6, v12;
	v6 =	vld.idx.msk [tilespmem:v9+s13+$0x0], $0xffff;
	v9 =	vor.u32 $0x2D, v1  }
0x19b: {  	v12 =	vld.idx.msk [tilespmem:v7+s12+$0x0], $0xffff  }
0x19c: {  	v2 =	vadd.f32 v3, v2;
	v3 =	vmul.f32 v5, v13;
	v5 =	vld.idx.msk [tilespmem:v7+s13+$0x0], $0xffff;
	v7 =	vor.u32 $0x2E, v1  }
0x19d: {  	v13 =	vld.idx.msk [tilespmem:v8+s12+$0x0], $0xffff  }
0x19e: {  	v2 =	vadd.f32 v3, v2;
	v3 =	vmul.f32 v4, v10;
	v4 =	vld.idx.msk [tilespmem:v8+s13+$0x0], $0xffff;
	v8 =	vor.u32 $0x2F, v1  }
0x19f: {  	v10 =	vld.idx.msk [tilespmem:v9+s12+$0x0], $0xffff  }
0x1a0: {  	v2 =	vadd.f32 v3, v2;
	v3 =	vmul.f32 v6, v11;
	v6 =	vld.idx.msk [tilespmem:v9+s13+$0x0], $0xffff;
	v9 =	vor.u32 $0x30, v1  }
0x1a1: {  	v11 =	vld.idx.msk [tilespmem:v7+s12+$0x0], $0xffff  }
0x1a2: {  	v1 =	vor.u32 $0x31, v1;
	v2 =	vadd.f32 v3, v2;
	v3 =	vmul.f32 v5, v12;
	v5 =	vld.idx.msk [tilespmem:v7+s13+$0x0], $0xffff  }
0x1a3: {  	v7 =	vld.idx.msk [tilespmem:v8+s12+$0x0], $0xffff  }
0x1a4: {  	v2 =	vadd.f32 v3, v2;
	v3 =	vmul.f32 v4, v13;
	v4 =	vld.idx.msk [tilespmem:v8+s13+$0x0], $0xffff  }
0x1a5: {  	v8 =	vld.idx.msk [tilespmem:v9+s12+$0x0], $0xffff  }
0x1a6: {  	v2 =	vadd.f32 v3, v2;
	v3 =	vmul.f32 v6, v10;
	v6 =	vld.idx.msk [tilespmem:v9+s13+$0x0], $0xffff  }
0x1a7: {  	v9 =	vld.idx.msk [tilespmem:v1+s12+$0x0], $0xffff  }
0x1a8: {  	v2 =	vadd.f32 v3, v2;
	v3 =	vmul.f32 v5, v11;
	v5 =	vld.idx.msk [tilespmem:v1+s13+$0x0], $0xffff;
	_ =	sdelay $0x1  }
.Ltmp1:
0x1a9: {  	v1 =	vadd.f32 v3, v2;
	v2 =	vmul.f32 v4, v7;
	(pc) =	sbr.rel @p1 .LBB2_5-.Ltmp1, $4  }
0x1aa: {  	_ = 	snop  }
0x1ab: {  	v3 =	vmov s19;
	v2 =	vadd.f32 v2, v1;
	v4 =	vmul.f32 v6, v8  }
0x1ac: {  	v1 =	vshll.u32 v3, $0x7  }
0x1ad: {  	s19 =	sadd.s32 $0x10, s19;
	v1 =	vor.u32 v0, v1;
	v2 =	vadd.f32 v4, v2;
	v3 =	vmul.f32 v5, v9  }
0x1ae: {  	s0 =	sand.u32 $0x80, s17  }
0x1af: {  	v4 =	vor.u32 $0x1, v1;
	s1 =	sand.u32 $0x70, s17;
	v2 =	vadd.f32 v3, v2;
	s0 =	sadd.s32 s0, s16  }
0x1b0: {  	s0 =	sadd.s32 s1, s0  }
0x1b1: {  	v3 =	vor.u32 $0x2, v1;
	[tilespmem:s0+$0x0] =	vst v2  }
0x1b2: {  	v2 =	vld.idx.msk [tilespmem:v1+s13+$0x0], $0xffff  }
0x1b3: {  	v6 =	vor.u32 $0x3, v1;
	v5 =	vld.idx.msk [tilespmem:v1+s12+$0x0], $0xffff  }
0x1b4: {  	v7 =	vld.idx.msk [tilespmem:v4+s12+$0x0], $0xffff  }
0x1b5: {  	v8 =	vor.u32 $0x4, v1;
	v4 =	vld.idx.msk [tilespmem:v4+s13+$0x0], $0xffff  }
0x1b6: {  	v9 =	vld.idx.msk [tilespmem:v3+s12+$0x0], $0xffff  }
0x1b7: {  	v10 =	vor.u32 $0x5, v1;
	v3 =	vld.idx.msk [tilespmem:v3+s13+$0x0], $0xffff  }
0x1b8: {  	v11 =	vld.idx.msk [tilespmem:v6+s12+$0x0], $0xffff  }
0x1b9: {  	v12 =	vor.u32 $0x6, v1;
	v6 =	vld.idx.msk [tilespmem:v6+s13+$0x0], $0xffff  }
0x1ba: {  	v13 =	vld.idx.msk [tilespmem:v8+s12+$0x0], $0xffff;
	v2 =	vmul.f32 v2, v5;
	v4 =	vmul.f32 v4, v7  }
0x1bb: {  	v29 =	vor.u32 $0x7, v1;
	v28 =	vld.idx.msk [tilespmem:v8+s13+$0x0], $0xffff  }
0x1bc: {  	v30 =	vld.idx.msk [tilespmem:v10+s12+$0x0], $0xffff;
	v3 =	vmul.f32 v3, v9;
	v2 =	vadd.f32 v4, v2  }
0x1bd: {  	v32 =	vor.u32 $0x8, v1;
	v31 =	vld.idx.msk [tilespmem:v10+s13+$0x0], $0xffff  }
0x1be: {  	v33 =	vld.idx.msk [tilespmem:v12+s12+$0x0], $0xffff;
	v2 =	vadd.f32 v3, v2;
	v3 =	vmul.f32 v6, v11  }
0x1bf: {  	v35 =	vor.u32 $0x9, v1;
	v34 =	vld.idx.msk [tilespmem:v12+s13+$0x0], $0xffff  }
0x1c0: {  	v36 =	vld.idx.msk [tilespmem:v29+s12+$0x0], $0xffff;
	v2 =	vadd.f32 v3, v2;
	v3 =	vmul.f32 v28, v13  }
0x1c1: {  	v38 =	vor.u32 $0xA, v1;
	v37 =	vld.idx.msk [tilespmem:v29+s13+$0x0], $0xffff  }
0x1c2: {  	v39 =	vld.idx.msk [tilespmem:v32+s12+$0x0], $0xffff;
	v2 =	vadd.f32 v3, v2;
	v3 =	vmul.f32 v31, v30  }
0x1c3: {  	v41 =	vor.u32 $0xB, v1;
	v40 =	vld.idx.msk [tilespmem:v32+s13+$0x0], $0xffff  }
0x1c4: {  	v42 =	vld.idx.msk [tilespmem:v35+s12+$0x0], $0xffff;
	v2 =	vadd.f32 v3, v2;
	v3 =	vmul.f32 v34, v33  }
0x1c5: {  	v44 =	vor.u32 $0xC, v1;
	v43 =	vld.idx.msk [tilespmem:v35+s13+$0x0], $0xffff  }
0x1c6: {  	v45 =	vld.idx.msk [tilespmem:v38+s12+$0x0], $0xffff;
	v2 =	vadd.f32 v3, v2;
	v3 =	vmul.f32 v37, v36  }
0x1c7: {  	v47 =	vor.u32 $0xD, v1;
	v46 =	vld.idx.msk [tilespmem:v38+s13+$0x0], $0xffff  }
0x1c8: {  	v48 =	vld.idx.msk [tilespmem:v41+s12+$0x0], $0xffff;
	v2 =	vadd.f32 v3, v2;
	v3 =	vmul.f32 v40, v39  }
0x1c9: {  	v50 =	vor.u32 $0xE, v1;
	v49 =	vld.idx.msk [tilespmem:v41+s13+$0x0], $0xffff  }
0x1ca: {  	v51 =	vld.idx.msk [tilespmem:v44+s12+$0x0], $0xffff;
	v2 =	vadd.f32 v3, v2;
	v3 =	vmul.f32 v43, v42  }
0x1cb: {  	v53 =	vor.u32 $0xF, v1;
	v52 =	vld.idx.msk [tilespmem:v44+s13+$0x0], $0xffff  }
0x1cc: {  	v54 =	vld.idx.msk [tilespmem:v47+s12+$0x0], $0xffff;
	v2 =	vadd.f32 v3, v2;
	v3 =	vmul.f32 v46, v45  }
0x1cd: {  	v56 =	vor.u32 $0x10, v1;
	v55 =	vld.idx.msk [tilespmem:v47+s13+$0x0], $0xffff  }
0x1ce: {  	v57 =	vld.idx.msk [tilespmem:v50+s12+$0x0], $0xffff;
	v2 =	vadd.f32 v3, v2;
	v3 =	vmul.f32 v49, v48  }
0x1cf: {  	v59 =	vor.u32 $0x11, v1;
	v58 =	vld.idx.msk [tilespmem:v50+s13+$0x0], $0xffff  }
0x1d0: {  	v60 =	vld.idx.msk [tilespmem:v53+s12+$0x0], $0xffff;
	v2 =	vadd.f32 v3, v2;
	v3 =	vmul.f32 v52, v51  }
0x1d1: {  	v62 =	vor.u32 $0x12, v1;
	v61 =	vld.idx.msk [tilespmem:v53+s13+$0x0], $0xffff  }
0x1d2: {  	v63 =	vld.idx.msk [tilespmem:v56+s12+$0x0], $0xffff;
	v2 =	vadd.f32 v3, v2;
	v3 =	vmul.f32 v55, v54  }
0x1d3: {  	v17 =	vor.u32 $0x13, v1;
	v16 =	vld.idx.msk [tilespmem:v56+s13+$0x0], $0xffff  }
0x1d4: {  	v18 =	vld.idx.msk [tilespmem:v59+s12+$0x0], $0xffff;
	v2 =	vadd.f32 v3, v2;
	v3 =	vmul.f32 v58, v57  }
0x1d5: {  	v20 =	vor.u32 $0x14, v1;
	v19 =	vld.idx.msk [tilespmem:v59+s13+$0x0], $0xffff  }
0x1d6: {  	v21 =	vld.idx.msk [tilespmem:v62+s12+$0x0], $0xffff;
	v2 =	vadd.f32 v3, v2;
	v3 =	vmul.f32 v61, v60  }
0x1d7: {  	v23 =	vor.u32 $0x15, v1;
	v22 =	vld.idx.msk [tilespmem:v62+s13+$0x0], $0xffff  }
0x1d8: {  	v24 =	vld.idx.msk [tilespmem:v17+s12+$0x0], $0xffff;
	v2 =	vadd.f32 v3, v2;
	v3 =	vmul.f32 v16, v63  }
0x1d9: {  	v26 =	vor.u32 $0x16, v1;
	v25 =	vld.idx.msk [tilespmem:v17+s13+$0x0], $0xffff  }
0x1da: {  	v27 =	vld.idx.msk [tilespmem:v20+s12+$0x0], $0xffff;
	v2 =	vadd.f32 v3, v2;
	v3 =	vmul.f32 v19, v18  }
0x1db: {  	v29 =	vor.u32 $0x17, v1;
	v28 =	vld.idx.msk [tilespmem:v20+s13+$0x0], $0xffff  }
0x1dc: {  	v30 =	vld.idx.msk [tilespmem:v23+s12+$0x0], $0xffff;
	v2 =	vadd.f32 v3, v2;
	v3 =	vmul.f32 v22, v21  }
0x1dd: {  	v32 =	vor.u32 $0x18, v1;
	v31 =	vld.idx.msk [tilespmem:v23+s13+$0x0], $0xffff  }
0x1de: {  	v33 =	vld.idx.msk [tilespmem:v26+s12+$0x0], $0xffff;
	v2 =	vadd.f32 v3, v2;
	v3 =	vmul.f32 v25, v24  }
0x1df: {  	v35 =	vor.u32 $0x19, v1;
	v34 =	vld.idx.msk [tilespmem:v26+s13+$0x0], $0xffff  }
0x1e0: {  	v36 =	vld.idx.msk [tilespmem:v29+s12+$0x0], $0xffff;
	v2 =	vadd.f32 v3, v2;
	v3 =	vmul.f32 v28, v27  }
0x1e1: {  	v38 =	vor.u32 $0x1A, v1;
	v37 =	vld.idx.msk [tilespmem:v29+s13+$0x0], $0xffff  }
0x1e2: {  	v39 =	vld.idx.msk [tilespmem:v32+s12+$0x0], $0xffff;
	v2 =	vadd.f32 v3, v2;
	v3 =	vmul.f32 v31, v30  }
0x1e3: {  	v41 =	vor.u32 $0x1B, v1;
	v40 =	vld.idx.msk [tilespmem:v32+s13+$0x0], $0xffff  }
0x1e4: {  	v42 =	vld.idx.msk [tilespmem:v35+s12+$0x0], $0xffff;
	v2 =	vadd.f32 v3, v2;
	v3 =	vmul.f32 v34, v33  }
0x1e5: {  	v44 =	vor.u32 $0x1C, v1;
	v43 =	vld.idx.msk [tilespmem:v35+s13+$0x0], $0xffff  }
0x1e6: {  	v45 =	vld.idx.msk [tilespmem:v38+s12+$0x0], $0xffff;
	v2 =	vadd.f32 v3, v2;
	v3 =	vmul.f32 v37, v36  }
0x1e7: {  	v47 =	vor.u32 $0x1D, v1;
	v46 =	vld.idx.msk [tilespmem:v38+s13+$0x0], $0xffff  }
0x1e8: {  	v48 =	vld.idx.msk [tilespmem:v41+s12+$0x0], $0xffff;
	v2 =	vadd.f32 v3, v2;
	v3 =	vmul.f32 v40, v39  }
0x1e9: {  	v50 =	vor.u32 $0x1E, v1;
	v49 =	vld.idx.msk [tilespmem:v41+s13+$0x0], $0xffff  }
0x1ea: {  	v51 =	vld.idx.msk [tilespmem:v44+s12+$0x0], $0xffff;
	v2 =	vadd.f32 v3, v2;
	v3 =	vmul.f32 v43, v42  }
0x1eb: {  	v53 =	vor.u32 $0x1F, v1;
	v52 =	vld.idx.msk [tilespmem:v44+s13+$0x0], $0xffff  }
0x1ec: {  	v54 =	vld.idx.msk [tilespmem:v47+s12+$0x0], $0xffff;
	v2 =	vadd.f32 v3, v2;
	v3 =	vmul.f32 v46, v45  }
0x1ed: {  	v56 =	vor.u32 $0x20, v1;
	v55 =	vld.idx.msk [tilespmem:v47+s13+$0x0], $0xffff  }
0x1ee: {  	v57 =	vld.idx.msk [tilespmem:v50+s12+$0x0], $0xffff;
	v2 =	vadd.f32 v3, v2;
	v3 =	vmul.f32 v49, v48  }
0x1ef: {  	v59 =	vor.u32 $0x21, v1;
	v58 =	vld.idx.msk [tilespmem:v50+s13+$0x0], $0xffff  }
0x1f0: {  	v60 =	vld.idx.msk [tilespmem:v53+s12+$0x0], $0xffff;
	v2 =	vadd.f32 v3, v2;
	v3 =	vmul.f32 v52, v51  }
0x1f1: {  	v62 =	vor.u32 $0x22, v1;
	v61 =	vld.idx.msk [tilespmem:v53+s13+$0x0], $0xffff  }
0x1f2: {  	v63 =	vld.idx.msk [tilespmem:v56+s12+$0x0], $0xffff;
	v2 =	vadd.f32 v3, v2;
	v3 =	vmul.f32 v55, v54  }
0x1f3: {  	v17 =	vor.u32 $0x23, v1;
	v16 =	vld.idx.msk [tilespmem:v56+s13+$0x0], $0xffff  }
0x1f4: {  	v18 =	vld.idx.msk [tilespmem:v59+s12+$0x0], $0xffff;
	v2 =	vadd.f32 v3, v2;
	v3 =	vmul.f32 v58, v57  }
0x1f5: {  	v20 =	vor.u32 $0x24, v1;
	v19 =	vld.idx.msk [tilespmem:v59+s13+$0x0], $0xffff  }
0x1f6: {  	v21 =	vld.idx.msk [tilespmem:v62+s12+$0x0], $0xffff;
	v2 =	vadd.f32 v3, v2;
	v3 =	vmul.f32 v61, v60  }
0x1f7: {  	v23 =	vor.u32 $0x25, v1;
	v22 =	vld.idx.msk [tilespmem:v62+s13+$0x0], $0xffff  }
0x1f8: {  	v24 =	vld.idx.msk [tilespmem:v17+s12+$0x0], $0xffff;
	v2 =	vadd.f32 v3, v2;
	v3 =	vmul.f32 v16, v63  }
0x1f9: {  	v26 =	vor.u32 $0x26, v1;
	v25 =	vld.idx.msk [tilespmem:v17+s13+$0x0], $0xffff  }
0x1fa: {  	v27 =	vld.idx.msk [tilespmem:v20+s12+$0x0], $0xffff;
	v2 =	vadd.f32 v3, v2;
	v3 =	vmul.f32 v19, v18  }
0x1fb: {  	v29 =	vor.u32 $0x27, v1;
	v28 =	vld.idx.msk [tilespmem:v20+s13+$0x0], $0xffff  }
0x1fc: {  	v30 =	vld.idx.msk [tilespmem:v23+s12+$0x0], $0xffff;
	v2 =	vadd.f32 v3, v2;
	v3 =	vmul.f32 v22, v21  }
0x1fd: {  	v32 =	vor.u32 $0x28, v1;
	v31 =	vld.idx.msk [tilespmem:v23+s13+$0x0], $0xffff  }
0x1fe: {  	v33 =	vld.idx.msk [tilespmem:v26+s12+$0x0], $0xffff;
	v2 =	vadd.f32 v3, v2;
	v3 =	vmul.f32 v25, v24  }
0x1ff: {  	v35 =	vor.u32 $0x29, v1;
	v34 =	vld.idx.msk [tilespmem:v26+s13+$0x0], $0xffff  }
0x200: {  	v36 =	vld.idx.msk [tilespmem:v29+s12+$0x0], $0xffff;
	v2 =	vadd.f32 v3, v2;
	v3 =	vmul.f32 v28, v27  }
0x201: {  	v38 =	vor.u32 $0x2A, v1;
	v37 =	vld.idx.msk [tilespmem:v29+s13+$0x0], $0xffff  }
0x202: {  	v39 =	vld.idx.msk [tilespmem:v32+s12+$0x0], $0xffff;
	v2 =	vadd.f32 v3, v2;
	v3 =	vmul.f32 v31, v30  }
0x203: {  	v41 =	vor.u32 $0x2B, v1;
	v40 =	vld.idx.msk [tilespmem:v32+s13+$0x0], $0xffff  }
0x204: {  	v42 =	vld.idx.msk [tilespmem:v35+s12+$0x0], $0xffff;
	v2 =	vadd.f32 v3, v2;
	v3 =	vmul.f32 v34, v33  }
0x205: {  	v44 =	vor.u32 $0x2C, v1;
	v43 =	vld.idx.msk [tilespmem:v35+s13+$0x0], $0xffff  }
0x206: {  	v45 =	vld.idx.msk [tilespmem:v38+s12+$0x0], $0xffff;
	v2 =	vadd.f32 v3, v2;
	v3 =	vmul.f32 v37, v36  }
0x207: {  	v47 =	vor.u32 $0x2D, v1;
	v46 =	vld.idx.msk [tilespmem:v38+s13+$0x0], $0xffff  }
0x208: {  	v48 =	vld.idx.msk [tilespmem:v41+s12+$0x0], $0xffff;
	v2 =	vadd.f32 v3, v2;
	v3 =	vmul.f32 v40, v39  }
0x209: {  	v50 =	vor.u32 $0x2E, v1;
	v49 =	vld.idx.msk [tilespmem:v41+s13+$0x0], $0xffff  }
0x20a: {  	v51 =	vld.idx.msk [tilespmem:v44+s12+$0x0], $0xffff;
	v2 =	vadd.f32 v3, v2;
	v3 =	vmul.f32 v43, v42  }
0x20b: {  	v53 =	vor.u32 $0x2F, v1;
	v52 =	vld.idx.msk [tilespmem:v44+s13+$0x0], $0xffff  }
0x20c: {  	v54 =	vld.idx.msk [tilespmem:v47+s12+$0x0], $0xffff;
	v2 =	vadd.f32 v3, v2;
	v3 =	vmul.f32 v46, v45  }
0x20d: {  	v56 =	vor.u32 $0x30, v1;
	v55 =	vld.idx.msk [tilespmem:v47+s13+$0x0], $0xffff  }
0x20e: {  	v57 =	vld.idx.msk [tilespmem:v50+s12+$0x0], $0xffff;
	v2 =	vadd.f32 v3, v2;
	v3 =	vmul.f32 v49, v48  }
0x20f: {  	v1 =	vor.u32 $0x31, v1;
	v58 =	vld.idx.msk [tilespmem:v50+s13+$0x0], $0xffff  }
0x210: {  	v59 =	vld.idx.msk [tilespmem:v53+s12+$0x0], $0xffff;
	v2 =	vadd.f32 v3, v2;
	v3 =	vmul.f32 v52, v51  }
0x211: {  	v60 =	vld.idx.msk [tilespmem:v53+s13+$0x0], $0xffff  }
0x212: {  	v62 =	vld.idx.msk [tilespmem:v56+s13+$0x0], $0xffff;
	v2 =	vadd.f32 v3, v2;
	v3 =	vmul.f32 v55, v54  }
0x213: {  	v61 =	vld.idx.msk [tilespmem:v56+s12+$0x0], $0xffff  }
0x214: {  	v63 =	vld.idx.msk [tilespmem:v1+s12+$0x0], $0xffff;
	v2 =	vadd.f32 v3, v2;
	v3 =	vmul.f32 v58, v57  }
0x215: {  	v1 =	vld.idx.msk [tilespmem:v1+s13+$0x0], $0xffff  }
0x216: {  	v2 =	vadd.f32 v3, v2;
	v3 =	vmul.f32 v60, v59;
	_ =	sdelay $0x1  }
0x217: {  	v2 =	vadd.f32 v3, v2;
	v3 =	vmul.f32 v62, v61;
	_ =	sdelay $0x1  }
.Ltmp2:
0x218: {  	v1 =	vmul.f32 v1, v63;
	v2 =	vadd.f32 v3, v2;
	(pc) =	sbr.rel @p0 .LBB2_2-.Ltmp2, $4  }
0x219: {  	s30 =	sand.u32 $0x80, s18  }
0x21a: {  	s31 =	sand.u32 $0x70, s18;
	s0 =	sadd.s32 s30, s16;
	v1 =	vadd.f32 v1, v2  }
0x21b: {  	s0 =	sadd.s32 s31, s0  }
0x21c: {  	p1 =	por $0x0, $0x0;
	[tilespmem:s0+$0x0] =	vst v1;
	s0 =	simm.s32 $0x100  }
0x21d: {  	s0 =	rddreg [dreg:$0x10];
	s1 =	simm.s32 $0x10400  }
0x21e: {  	[hbm4b:s0+s15] =	stream.linear.scatter [tilespmem:s1], [sflag:$0x2], $0x200, $0x38;
	[tilespmem:$0x10600] =	vst v63  }
0x21f: {  	s1 =	simm.s32 $0x2  }
0x220: {  	_ =	swait.ge [sflag:s1], $0x200  }
0x221: {  	s2 =	rddreg [dreg:$0x12]  }
0x222: {  	s31 =	rddreg [dreg:$0x11];
	s2 =	sadd.s32 $0x1, s2  }
0x223: {  	p0 =	sne.s32 s2, s31  }
.Ltmp3:
0x224: {  	_ = 	snop;
	(pc) =	sbr.rel @p0 .LBB2_1-.Ltmp3, $3  }
0x225: {  	_ =	sdelay $0x1  }
0x226: {  	[sflag:s1] =	ssyncset.done $0x0  }
0x227: {  	[sflag:s1] =	ssyncadd.s32 $0xFFFFFE00  }
0x228: {  	_ =	sfence.sel $0x180000  }
0x229: {  	[bflag:$0x0] =	sbarrier.arrive $0xFFFF  }
0x22a: {  	_ =	strace $0x90000047  }
0x22b: {  	s0 =	stileid.u32;
	[bflag:$0x2] =	sbarrier.arrive $0xFFFF  }
0x22c: {  	p0 =	sne.s32 s0, $0x0;
	s0 =	rddreg [dreg:$0x2]  }
0x22d: {  	s0 =	sadd.s32 @!p0 $0x100000, s0  }
0x22e: {  	[sflag:s0] =	ssyncadd.tile.s32 @!p0 $0x1;
	_ =	shalt  }
.Lfunc_end2:
_tile_overlayer_lowered:
.L_overlay_start_2:
0x22f: {  	(tag) =	ssettag $0x2  }
0x230: {  	s0 =	rddreg [dreg:$0x0];
	s2 =	stileid.u32  }
0x231: {  	s1 =	rddreg [dreg:$0x1];
	p0 =	sne.s32 s2, $0x0  }
0x232: {  	s3 =	rddreg [dreg:$0x2];
	[bflag:$0x3] =	sbarrier.arrive $0xFFFF;
	s2 =	simm.s32 @!p0 $0x1C02  }
0x233: {  	[timem:s3], [sflag:s2] =	dma.local @!p0 [hbm:s0], s1  }
0x234: {  	s0 =	simm.s32 @!p0 $0x2  }
0x235: {  	_ =	swait.ge @!p0 [sflag:s0], s1  }
0x236: {  	s1 =	ssub.s32 @!p0 $0x0, s1;
	[sflag:s0] =	ssyncset.done @!p0 $0x0  }
0x237: {  	[sflag:s0] =	ssyncadd.s32 @!p0 s1  }
0x238: {  	[bflag:$0x3] =	sbarrier.arrive $0xFFFF  }
0x239: {  	_ =	shalt  }

</sc_bundles>
